<compile_context>
chip_gen: v7x
topology: tpu7x:2x2x1
jax: 0.10.2.dev20260603
libtpu: 0.0.44.dev20260713+nightly
codegen_flags: <defaults>
</compile_context>

<pallas_src>
import functools

import jax
import jax.numpy as jnp
from jax import lax
from jax.experimental import pallas as pl
from jax.experimental.pallas import tpu as pltpu
from jax.experimental.pallas import tpu_sc as plsc

_B, _T, _D = 4, 8192, 1024
_NW = 32
_TPW = _T // _NW
_CH = 16
_NCH = _TPW // _CH
_CE = _CH * _D
_STEPS = _NCH * _B
_UNROLL = 8
_VI = _CE // (16 * _UNROLL)


def _sc_add(x_hbm, e_hbm, o_hbm, xbuf, ebuf, in_sems, out_sems, e_sems):
    cid = lax.axis_index("c")
    sid = lax.axis_index("s")
    wid = sid * 2 + cid
    tbase = wid * (_TPW * _D)

    def x_off(j):
        i = j >> 2
        b = j & 3
        return b * (_T * _D) + tbase + i * _CE

    def fire_x(j):
        slot = j & 3
        pltpu.async_copy(x_hbm.at[pl.ds(x_off(j), _CE)], xbuf.at[slot],
                         in_sems.at[slot])

    def fire_e(i):
        pltpu.async_copy(e_hbm.at[pl.ds(tbase + i * _CE, _CE)],
                         ebuf.at[i & 1], e_sems.at[i & 1])

    fire_e(0)
    fire_x(0)
    fire_x(1)

    def body(j, carry):
        slot = j & 3
        i = j >> 2
        b = j & 3

        @pl.when(j >= 2)
        def _():
            s2 = (j + 2) & 3
            pltpu.make_async_copy(xbuf.at[s2],
                                  o_hbm.at[pl.ds(x_off(j - 2), _CE)],
                                  out_sems.at[s2]).wait()

        @pl.when(j + 2 < _STEPS)
        def _():
            fire_x(j + 2)

        @pl.when((b == 0) & (i + 1 < _NCH))
        def _():
            fire_e(i + 1)

        pltpu.make_async_copy(x_hbm.at[pl.ds(x_off(j), _CE)],
                              xbuf.at[slot], in_sems.at[slot]).wait()

        @pl.when(b == 0)
        def _():
            pltpu.make_async_copy(e_hbm.at[pl.ds(tbase + i * _CE, _CE)],
                                  ebuf.at[i & 1], e_sems.at[i & 1]).wait()

        eb = i & 1

        @plsc.parallel_loop(0, _CE, step=16, unroll=_UNROLL)
        def _(s):
            xbuf[slot, pl.ds(s, 16)] = (xbuf[slot, pl.ds(s, 16)]
                                        + ebuf[eb, pl.ds(s, 16)])

        pltpu.async_copy(xbuf.at[slot], o_hbm.at[pl.ds(x_off(j), _CE)],
                         out_sems.at[slot])
        return carry

    lax.fori_loop(0, _STEPS, body, 0, unroll=False)

    for j in (_STEPS - 2, _STEPS - 1):
        slot = j & 3
        pltpu.make_async_copy(xbuf.at[slot],
                              o_hbm.at[pl.ds(x_off(j), _CE)],
                              out_sems.at[slot]).wait()


def kernel(x, embeddings):
    xf = x.reshape(_B * _T * _D)
    ef = embeddings.reshape(_T * _D)
    mesh = plsc.VectorSubcoreMesh(core_axis_name="c", subcore_axis_name="s")
    run = functools.partial(
        pl.kernel,
        out_type=jax.ShapeDtypeStruct((_B * _T * _D,), jnp.float32),
        mesh=mesh,
        scratch_types=[
            pltpu.VMEM((4, _CE), jnp.float32),
            pltpu.VMEM((2, _CE), jnp.float32),
            pltpu.SemaphoreType.DMA((4,)),
            pltpu.SemaphoreType.DMA((4,)),
            pltpu.SemaphoreType.DMA((2,)),
        ],
    )(_sc_add)
    out = run(xf, ef)
    return out.reshape(_B, _T, _D)

# --- scband reference (transcript-rebuilt; emitter-appended) ---
"""Pipeline reference for scband-sinusoidal-embeddings-7791070675868 (READ-ONLY COPY).

The authoritative reference and input builder live on the scoring server;
editing this copy changes nothing except your own understanding.
"""

import jax, jax.numpy as jnp
import numpy as np


def _get_embeddings(tsz, embed_dim, base=10000):
    positions = np.arange(tsz, dtype=np.float32)
    dim = np.arange(embed_dim, dtype=np.float32)
    dim = base ** (2 * (dim // 2) / embed_dim)
    emb = positions[:, None] / dim[None, :]
    emb[:, 0::2] = np.sin(emb[:, 0::2])
    emb[:, 1::2] = np.cos(emb[:, 1::2])
    return jnp.asarray(emb, dtype=jnp.float32)


def setup_inputs(seed: int = 0) -> dict:
    key = jax.random.key(seed)
    x = jax.random.normal(key, (4, 8192, 1024), dtype=jnp.float32)
    embeddings = _get_embeddings(8192, 1024, base=10000)
    return {"x": x, "embeddings": embeddings}


def reference(x, embeddings):
    # forward with offset=0, times=None:
    #   x + embeddings[None, offset:offset + x.size(1)]
    offset = 0
    tsz = x.shape[1]
    return x + embeddings[None, offset:offset + tsz]

if __name__ == "__main__":
    import jax
    _d = setup_inputs()
    print(jax.jit(kernel)(*tuple(_d.values())))

</pallas_src>

<mosaic_0001>
#map = affine_map<(d0, d1) -> (0)>
module attributes {stable_mosaic.version = 14 : i64} {
  func.func @_sc_add(%arg0: i32, %arg1: i32, %arg2: memref<33554432xf32, #tpu.memory_space<hbm>>, %arg3: memref<8388608xf32, #tpu.memory_space<hbm>>, %arg4: memref<33554432xf32, #tpu.memory_space<hbm>>, %arg5: memref<4x16384xf32, #tpu.memory_space<vmem>>, %arg6: memref<2x16384xf32, #tpu.memory_space<vmem>>, %arg7: memref<4x!tpu.dma_semaphore, #tpu.memory_space<semaphore_mem>>, %arg8: memref<4x!tpu.dma_semaphore, #tpu.memory_space<semaphore_mem>>, %arg9: memref<2x!tpu.dma_semaphore, #tpu.memory_space<semaphore_mem>>) attributes {dimension_semantics = [#tpu.dimension_semantics<core_parallel>, #tpu.dimension_semantics<subcore_parallel>], iteration_bounds = array<i64: 2, 16>, scalar_prefetch = 0 : i64, scratch_operands = 5 : i64, tpu.core_type = #tpu.core_type<sc_vector_subcore>, window_params = [{transform_indices = #map}, {transform_indices = #map}, {transform_indices = #map}]} {
    %mul3A = arith.constant 2 : i32
    %mul3A_0 = arith.muli %arg1, %mul3A : i32
    %add3A = arith.addi %mul3A_0, %arg0 : i32
    %mul3A_1 = arith.constant 262144 : i32
    %mul3A_2 = arith.muli %add3A, %mul3A_1 : i32
    %add3A_3 = arith.constant 0 : i32
    %add3A_4 = arith.addi %mul3A_2, %add3A_3 : i32
    %dma_start3A = arith.constant 0 : i32
    %dma_start3A_5 = arith.constant 0 : i32
    %dma_start3A_6 = arith.constant 0 : i32
    %dma_start3A_7 = tpu.memref_slice %arg6[%dma_start3A, %dma_start3A_6] : memref<2x16384xf32, #tpu.memory_space<vmem>> -> memref<1x16384xf32, #tpu.memory_space<vmem>>
    %dma_start3A_8 = tpu.memref_squeeze %dma_start3A_7 : memref<1x16384xf32, #tpu.memory_space<vmem>> -> memref<16384xf32, #tpu.memory_space<vmem>>
    %dma_start3A_9 = tpu.memref_slice %arg3[%add3A_4] : memref<8388608xf32, #tpu.memory_space<hbm>> -> memref<16384xf32, #tpu.memory_space<hbm>>
    %dma_start3A_10 = tpu.memref_slice %arg9[%dma_start3A_5] : memref<2x!tpu.dma_semaphore, #tpu.memory_space<semaphore_mem>> -> memref<1x!tpu.dma_semaphore, #tpu.memory_space<semaphore_mem>>
    %dma_start3A_11 = tpu.memref_squeeze %dma_start3A_10 : memref<1x!tpu.dma_semaphore, #tpu.memory_space<semaphore_mem>> -> memref<!tpu.dma_semaphore, #tpu.memory_space<semaphore_mem>>
    %dma_start3A_12 = arith.constant 0 : i32
    %dma_start3A_13 = tpu.memref_slice %arg6[%dma_start3A, %dma_start3A_12] : memref<2x16384xf32, #tpu.memory_space<vmem>> -> memref<1x16384xf32, #tpu.memory_space<vmem>>
    %dma_start3A_14 = tpu.memref_squeeze %dma_start3A_13 : memref<1x16384xf32, #tpu.memory_space<vmem>> -> memref<16384xf32, #tpu.memory_space<vmem>>
    %dma_start3A_15 = tpu.memref_slice %arg3[%add3A_4] : memref<8388608xf32, #tpu.memory_space<hbm>> -> memref<16384xf32, #tpu.memory_space<hbm>>
    tpu.enqueue_dma source(%dma_start3A_15 : memref<16384xf32, #tpu.memory_space<hbm>>) target(%dma_start3A_14 : memref<16384xf32, #tpu.memory_space<vmem>>) target_semaphore(%dma_start3A_11 : memref<!tpu.dma_semaphore, #tpu.memory_space<semaphore_mem>>)
    %add3A_16 = arith.constant 0 : i32
    %add3A_17 = arith.addi %add3A_16, %mul3A_2 : i32
    %add3A_18 = arith.constant 0 : i32
    %add3A_19 = arith.addi %add3A_17, %add3A_18 : i32
    %dma_start3A_20 = arith.constant 0 : i32
    %dma_start3A_21 = arith.constant 0 : i32
    %dma_start3A_22 = arith.constant 0 : i32
    %dma_start3A_23 = tpu.memref_slice %arg5[%dma_start3A_20, %dma_start3A_22] : memref<4x16384xf32, #tpu.memory_space<vmem>> -> memref<1x16384xf32, #tpu.memory_space<vmem>>
    %dma_start3A_24 = tpu.memref_squeeze %dma_start3A_23 : memref<1x16384xf32, #tpu.memory_space<vmem>> -> memref<16384xf32, #tpu.memory_space<vmem>>
    %dma_start3A_25 = tpu.memref_slice %arg2[%add3A_19] : memref<33554432xf32, #tpu.memory_space<hbm>> -> memref<16384xf32, #tpu.memory_space<hbm>>
    %dma_start3A_26 = tpu.memref_slice %arg7[%dma_start3A_21] : memref<4x!tpu.dma_semaphore, #tpu.memory_space<semaphore_mem>> -> memref<1x!tpu.dma_semaphore, #tpu.memory_space<semaphore_mem>>
    %dma_start3A_27 = tpu.memref_squeeze %dma_start3A_26 : memref<1x!tpu.dma_semaphore, #tpu.memory_space<semaphore_mem>> -> memref<!tpu.dma_semaphore, #tpu.memory_space<semaphore_mem>>
    %dma_start3A_28 = arith.constant 0 : i32
    %dma_start3A_29 = tpu.memref_slice %arg5[%dma_start3A_20, %dma_start3A_28] : memref<4x16384xf32, #tpu.memory_space<vmem>> -> memref<1x16384xf32, #tpu.memory_space<vmem>>
    %dma_start3A_30 = tpu.memref_squeeze %dma_start3A_29 : memref<1x16384xf32, #tpu.memory_space<vmem>> -> memref<16384xf32, #tpu.memory_space<vmem>>
    %dma_start3A_31 = tpu.memref_slice %arg2[%add3A_19] : memref<33554432xf32, #tpu.memory_space<hbm>> -> memref<16384xf32, #tpu.memory_space<hbm>>
    tpu.enqueue_dma source(%dma_start3A_31 : memref<16384xf32, #tpu.memory_space<hbm>>) target(%dma_start3A_30 : memref<16384xf32, #tpu.memory_space<vmem>>) target_semaphore(%dma_start3A_27 : memref<!tpu.dma_semaphore, #tpu.memory_space<semaphore_mem>>)
    %add3A_32 = arith.constant 8388608 : i32
    %add3A_33 = arith.addi %add3A_32, %mul3A_2 : i32
    %add3A_34 = arith.constant 0 : i32
    %add3A_35 = arith.addi %add3A_33, %add3A_34 : i32
    %dma_start3A_36 = arith.constant 1 : i32
    %dma_start3A_37 = arith.constant 1 : i32
    %dma_start3A_38 = arith.constant 0 : i32
    %dma_start3A_39 = tpu.memref_slice %arg5[%dma_start3A_36, %dma_start3A_38] : memref<4x16384xf32, #tpu.memory_space<vmem>> -> memref<1x16384xf32, #tpu.memory_space<vmem>>
    %dma_start3A_40 = tpu.memref_squeeze %dma_start3A_39 : memref<1x16384xf32, #tpu.memory_space<vmem>> -> memref<16384xf32, #tpu.memory_space<vmem>>
    %dma_start3A_41 = tpu.memref_slice %arg2[%add3A_35] : memref<33554432xf32, #tpu.memory_space<hbm>> -> memref<16384xf32, #tpu.memory_space<hbm>>
    %dma_start3A_42 = tpu.memref_slice %arg7[%dma_start3A_37] : memref<4x!tpu.dma_semaphore, #tpu.memory_space<semaphore_mem>> -> memref<1x!tpu.dma_semaphore, #tpu.memory_space<semaphore_mem>>
    %dma_start3A_43 = tpu.memref_squeeze %dma_start3A_42 : memref<1x!tpu.dma_semaphore, #tpu.memory_space<semaphore_mem>> -> memref<!tpu.dma_semaphore, #tpu.memory_space<semaphore_mem>>
    %dma_start3A_44 = arith.constant 0 : i32
    %dma_start3A_45 = tpu.memref_slice %arg5[%dma_start3A_36, %dma_start3A_44] : memref<4x16384xf32, #tpu.memory_space<vmem>> -> memref<1x16384xf32, #tpu.memory_space<vmem>>
    %dma_start3A_46 = tpu.memref_squeeze %dma_start3A_45 : memref<1x16384xf32, #tpu.memory_space<vmem>> -> memref<16384xf32, #tpu.memory_space<vmem>>
    %dma_start3A_47 = tpu.memref_slice %arg2[%add3A_35] : memref<33554432xf32, #tpu.memory_space<hbm>> -> memref<16384xf32, #tpu.memory_space<hbm>>
    tpu.enqueue_dma source(%dma_start3A_47 : memref<16384xf32, #tpu.memory_space<hbm>>) target(%dma_start3A_46 : memref<16384xf32, #tpu.memory_space<vmem>>) target_semaphore(%dma_start3A_43 : memref<!tpu.dma_semaphore, #tpu.memory_space<semaphore_mem>>)
    %scan3A = arith.constant 0 : i32
    %scan3A_48 = arith.constant 0 : i32
    %scan3A_49 = arith.constant 64 : i32
    %scan3A_50 = arith.addi %scan3A_48, %scan3A_49 : i32
    %scan3A_51 = arith.constant 1 : i32
    scf.for %scan3A_84 = %scan3A_48 to %scan3A_50 step %scan3A_51  : i32 {
      %and3A = arith.constant 3 : i32
      %and3A_85 = arith.andi %scan3A_84, %and3A : i32
      %shift_right_arithmetic3A = arith.constant 2 : i32
      %shift_right_arithmetic3A_86 = arith.shrsi %scan3A_84, %shift_right_arithmetic3A : i32
      %and3A_87 = arith.constant 3 : i32
      %and3A_88 = arith.andi %scan3A_84, %and3A_87 : i32
      %ge3A = arith.constant 2 : i32
      %ge3A_89 = arith.cmpi sge, %scan3A_84, %ge3A : i32
      %convert_element_type3A = arith.extui %ge3A_89 : i1 to i32
      %cond3A = arith.constant 0 : i32
      %cond3A_90 = arith.cmpi ne, %convert_element_type3A, %cond3A : i32
      scf.if %cond3A_90 {
        %add3A_155 = arith.constant 2 : i32
        %add3A_156 = arith.addi %scan3A_84, %add3A_155 : i32
        %and3A_157 = arith.constant 3 : i32
        %and3A_158 = arith.andi %add3A_156, %and3A_157 : i32
        %sub3A = arith.constant 2 : i32
        %sub3A_159 = arith.subi %scan3A_84, %sub3A : i32
        %shift_right_arithmetic3A_160 = arith.constant 2 : i32
        %shift_right_arithmetic3A_161 = arith.shrsi %sub3A_159, %shift_right_arithmetic3A_160 : i32
        %and3A_162 = arith.constant 3 : i32
        %and3A_163 = arith.andi %sub3A_159, %and3A_162 : i32
        %mul3A_164 = arith.constant 8388608 : i32
        %mul3A_165 = arith.muli %and3A_163, %mul3A_164 : i32
        %add3A_166 = arith.addi %mul3A_165, %mul3A_2 : i32
        %mul3A_167 = arith.constant 16384 : i32
        %mul3A_168 = arith.muli %shift_right_arithmetic3A_161, %mul3A_167 : i32
        %add3A_169 = arith.addi %add3A_166, %mul3A_168 : i32
        %dma_wait3A_170 = arith.constant 0 : i32
        %dma_wait3A_171 = tpu.memref_slice %arg5[%and3A_158, %dma_wait3A_170] : memref<4x16384xf32, #tpu.memory_space<vmem>> -> memref<1x16384xf32, #tpu.memory_space<vmem>>
        %dma_wait3A_172 = tpu.memref_squeeze %dma_wait3A_171 : memref<1x16384xf32, #tpu.memory_space<vmem>> -> memref<16384xf32, #tpu.memory_space<vmem>>
        %dma_wait3A_173 = tpu.memref_slice %arg4[%add3A_169] : memref<33554432xf32, #tpu.memory_space<hbm>> -> memref<16384xf32, #tpu.memory_space<hbm>>
        %dma_wait3A_174 = tpu.memref_slice %arg8[%and3A_158] : memref<4x!tpu.dma_semaphore, #tpu.memory_space<semaphore_mem>> -> memref<1x!tpu.dma_semaphore, #tpu.memory_space<semaphore_mem>>
        %dma_wait3A_175 = tpu.memref_squeeze %dma_wait3A_174 : memref<1x!tpu.dma_semaphore, #tpu.memory_space<semaphore_mem>> -> memref<!tpu.dma_semaphore, #tpu.memory_space<semaphore_mem>>
        %dma_wait3A_176 = tpu.memref_slice %arg4[%add3A_169] : memref<33554432xf32, #tpu.memory_space<hbm>> -> memref<16384xf32, #tpu.memory_space<hbm>>
        %dma_wait3A_177 = arith.constant 0 : i32
        %dma_wait3A_178 = tpu.memref_slice %arg5[%and3A_158, %dma_wait3A_177] : memref<4x16384xf32, #tpu.memory_space<vmem>> -> memref<1x16384xf32, #tpu.memory_space<vmem>>
        %dma_wait3A_179 = tpu.memref_squeeze %dma_wait3A_178 : memref<1x16384xf32, #tpu.memory_space<vmem>> -> memref<16384xf32, #tpu.memory_space<vmem>>
        tpu.wait_dma2 semaphore(%dma_wait3A_175 : memref<!tpu.dma_semaphore, #tpu.memory_space<semaphore_mem>>) src(%dma_wait3A_179 : memref<16384xf32, #tpu.memory_space<vmem>>) dst(%dma_wait3A_176 : memref<16384xf32, #tpu.memory_space<hbm>>)
      } else {
      }
      %add3A_91 = arith.constant 2 : i32
      %add3A_92 = arith.addi %scan3A_84, %add3A_91 : i32
      %lt3A = arith.constant 64 : i32
      %lt3A_93 = arith.cmpi slt, %add3A_92, %lt3A : i32
      %convert_element_type3A_94 = arith.extui %lt3A_93 : i1 to i32
      %cond3A_95 = arith.constant 0 : i32
      %cond3A_96 = arith.cmpi ne, %convert_element_type3A_94, %cond3A_95 : i32
      scf.if %cond3A_96 {
        %add3A_155 = arith.constant 2 : i32
        %add3A_156 = arith.addi %scan3A_84, %add3A_155 : i32
        %and3A_157 = arith.constant 3 : i32
        %and3A_158 = arith.andi %add3A_156, %and3A_157 : i32
        %shift_right_arithmetic3A_159 = arith.constant 2 : i32
        %shift_right_arithmetic3A_160 = arith.shrsi %add3A_156, %shift_right_arithmetic3A_159 : i32
        %and3A_161 = arith.constant 3 : i32
        %and3A_162 = arith.andi %add3A_156, %and3A_161 : i32
        %mul3A_163 = arith.constant 8388608 : i32
        %mul3A_164 = arith.muli %and3A_162, %mul3A_163 : i32
        %add3A_165 = arith.addi %mul3A_164, %mul3A_2 : i32
        %mul3A_166 = arith.constant 16384 : i32
        %mul3A_167 = arith.muli %shift_right_arithmetic3A_160, %mul3A_166 : i32
        %add3A_168 = arith.addi %add3A_165, %mul3A_167 : i32
        %dma_start3A_169 = arith.constant 0 : i32
        %dma_start3A_170 = tpu.memref_slice %arg5[%and3A_158, %dma_start3A_169] : memref<4x16384xf32, #tpu.memory_space<vmem>> -> memref<1x16384xf32, #tpu.memory_space<vmem>>
        %dma_start3A_171 = tpu.memref_squeeze %dma_start3A_170 : memref<1x16384xf32, #tpu.memory_space<vmem>> -> memref<16384xf32, #tpu.memory_space<vmem>>
        %dma_start3A_172 = tpu.memref_slice %arg2[%add3A_168] : memref<33554432xf32, #tpu.memory_space<hbm>> -> memref<16384xf32, #tpu.memory_space<hbm>>
        %dma_start3A_173 = tpu.memref_slice %arg7[%and3A_158] : memref<4x!tpu.dma_semaphore, #tpu.memory_space<semaphore_mem>> -> memref<1x!tpu.dma_semaphore, #tpu.memory_space<semaphore_mem>>
        %dma_start3A_174 = tpu.memref_squeeze %dma_start3A_173 : memref<1x!tpu.dma_semaphore, #tpu.memory_space<semaphore_mem>> -> memref<!tpu.dma_semaphore, #tpu.memory_space<semaphore_mem>>
        %dma_start3A_175 = arith.constant 0 : i32
        %dma_start3A_176 = tpu.memref_slice %arg5[%and3A_158, %dma_start3A_175] : memref<4x16384xf32, #tpu.memory_space<vmem>> -> memref<1x16384xf32, #tpu.memory_space<vmem>>
        %dma_start3A_177 = tpu.memref_squeeze %dma_start3A_176 : memref<1x16384xf32, #tpu.memory_space<vmem>> -> memref<16384xf32, #tpu.memory_space<vmem>>
        %dma_start3A_178 = tpu.memref_slice %arg2[%add3A_168] : memref<33554432xf32, #tpu.memory_space<hbm>> -> memref<16384xf32, #tpu.memory_space<hbm>>
        tpu.enqueue_dma source(%dma_start3A_178 : memref<16384xf32, #tpu.memory_space<hbm>>) target(%dma_start3A_177 : memref<16384xf32, #tpu.memory_space<vmem>>) target_semaphore(%dma_start3A_174 : memref<!tpu.dma_semaphore, #tpu.memory_space<semaphore_mem>>)
      } else {
      }
      %eq3A = arith.constant 0 : i32
      %eq3A_97 = arith.cmpi eq, %and3A_88, %eq3A : i32
      %add3A_98 = arith.constant 1 : i32
      %add3A_99 = arith.addi %shift_right_arithmetic3A_86, %add3A_98 : i32
      %lt3A_100 = arith.constant 16 : i32
      %lt3A_101 = arith.cmpi slt, %add3A_99, %lt3A_100 : i32
      %and3A_102 = arith.andi %eq3A_97, %lt3A_101 : i1
      %convert_element_type3A_103 = arith.extui %and3A_102 : i1 to i32
      %cond3A_104 = arith.constant 0 : i32
      %cond3A_105 = arith.cmpi ne, %convert_element_type3A_103, %cond3A_104 : i32
      scf.if %cond3A_105 {
        %add3A_155 = arith.constant 1 : i32
        %add3A_156 = arith.addi %shift_right_arithmetic3A_86, %add3A_155 : i32
        %mul3A_157 = arith.constant 16384 : i32
        %mul3A_158 = arith.muli %add3A_156, %mul3A_157 : i32
        %add3A_159 = arith.addi %mul3A_2, %mul3A_158 : i32
        %and3A_160 = arith.constant 1 : i32
        %and3A_161 = arith.andi %add3A_156, %and3A_160 : i32
        %and3A_162 = arith.constant 1 : i32
        %and3A_163 = arith.andi %add3A_156, %and3A_162 : i32
        %dma_start3A_164 = arith.constant 0 : i32
        %dma_start3A_165 = tpu.memref_slice %arg6[%and3A_161, %dma_start3A_164] : memref<2x16384xf32, #tpu.memory_space<vmem>> -> memref<1x16384xf32, #tpu.memory_space<vmem>>
        %dma_start3A_166 = tpu.memref_squeeze %dma_start3A_165 : memref<1x16384xf32, #tpu.memory_space<vmem>> -> memref<16384xf32, #tpu.memory_space<vmem>>
        %dma_start3A_167 = tpu.memref_slice %arg3[%add3A_159] : memref<8388608xf32, #tpu.memory_space<hbm>> -> memref<16384xf32, #tpu.memory_space<hbm>>
        %dma_start3A_168 = tpu.memref_slice %arg9[%and3A_163] : memref<2x!tpu.dma_semaphore, #tpu.memory_space<semaphore_mem>> -> memref<1x!tpu.dma_semaphore, #tpu.memory_space<semaphore_mem>>
        %dma_start3A_169 = tpu.memref_squeeze %dma_start3A_168 : memref<1x!tpu.dma_semaphore, #tpu.memory_space<semaphore_mem>> -> memref<!tpu.dma_semaphore, #tpu.memory_space<semaphore_mem>>
        %dma_start3A_170 = arith.constant 0 : i32
        %dma_start3A_171 = tpu.memref_slice %arg6[%and3A_161, %dma_start3A_170] : memref<2x16384xf32, #tpu.memory_space<vmem>> -> memref<1x16384xf32, #tpu.memory_space<vmem>>
        %dma_start3A_172 = tpu.memref_squeeze %dma_start3A_171 : memref<1x16384xf32, #tpu.memory_space<vmem>> -> memref<16384xf32, #tpu.memory_space<vmem>>
        %dma_start3A_173 = tpu.memref_slice %arg3[%add3A_159] : memref<8388608xf32, #tpu.memory_space<hbm>> -> memref<16384xf32, #tpu.memory_space<hbm>>
        tpu.enqueue_dma source(%dma_start3A_173 : memref<16384xf32, #tpu.memory_space<hbm>>) target(%dma_start3A_172 : memref<16384xf32, #tpu.memory_space<vmem>>) target_semaphore(%dma_start3A_169 : memref<!tpu.dma_semaphore, #tpu.memory_space<semaphore_mem>>)
      } else {
      }
      %shift_right_arithmetic3A_106 = arith.constant 2 : i32
      %shift_right_arithmetic3A_107 = arith.shrsi %scan3A_84, %shift_right_arithmetic3A_106 : i32
      %and3A_108 = arith.constant 3 : i32
      %and3A_109 = arith.andi %scan3A_84, %and3A_108 : i32
      %mul3A_110 = arith.constant 8388608 : i32
      %mul3A_111 = arith.muli %and3A_109, %mul3A_110 : i32
      %add3A_112 = arith.addi %mul3A_111, %mul3A_2 : i32
      %mul3A_113 = arith.constant 16384 : i32
      %mul3A_114 = arith.muli %shift_right_arithmetic3A_107, %mul3A_113 : i32
      %add3A_115 = arith.addi %add3A_112, %mul3A_114 : i32
      %dma_wait3A_116 = arith.constant 0 : i32
      %dma_wait3A_117 = tpu.memref_slice %arg5[%and3A_85, %dma_wait3A_116] : memref<4x16384xf32, #tpu.memory_space<vmem>> -> memref<1x16384xf32, #tpu.memory_space<vmem>>
      %dma_wait3A_118 = tpu.memref_squeeze %dma_wait3A_117 : memref<1x16384xf32, #tpu.memory_space<vmem>> -> memref<16384xf32, #tpu.memory_space<vmem>>
      %dma_wait3A_119 = tpu.memref_slice %arg2[%add3A_115] : memref<33554432xf32, #tpu.memory_space<hbm>> -> memref<16384xf32, #tpu.memory_space<hbm>>
      %dma_wait3A_120 = tpu.memref_slice %arg7[%and3A_85] : memref<4x!tpu.dma_semaphore, #tpu.memory_space<semaphore_mem>> -> memref<1x!tpu.dma_semaphore, #tpu.memory_space<semaphore_mem>>
      %dma_wait3A_121 = tpu.memref_squeeze %dma_wait3A_120 : memref<1x!tpu.dma_semaphore, #tpu.memory_space<semaphore_mem>> -> memref<!tpu.dma_semaphore, #tpu.memory_space<semaphore_mem>>
      %dma_wait3A_122 = arith.constant 0 : i32
      %dma_wait3A_123 = tpu.memref_slice %arg5[%and3A_85, %dma_wait3A_122] : memref<4x16384xf32, #tpu.memory_space<vmem>> -> memref<1x16384xf32, #tpu.memory_space<vmem>>
      %dma_wait3A_124 = tpu.memref_squeeze %dma_wait3A_123 : memref<1x16384xf32, #tpu.memory_space<vmem>> -> memref<16384xf32, #tpu.memory_space<vmem>>
      %dma_wait3A_125 = tpu.memref_slice %arg2[%add3A_115] : memref<33554432xf32, #tpu.memory_space<hbm>> -> memref<16384xf32, #tpu.memory_space<hbm>>
      tpu.wait_dma2 semaphore(%dma_wait3A_121 : memref<!tpu.dma_semaphore, #tpu.memory_space<semaphore_mem>>) src(%dma_wait3A_125 : memref<16384xf32, #tpu.memory_space<hbm>>) dst(%dma_wait3A_124 : memref<16384xf32, #tpu.memory_space<vmem>>)
      %eq3A_126 = arith.constant 0 : i32
      %eq3A_127 = arith.cmpi eq, %and3A_88, %eq3A_126 : i32
      %convert_element_type3A_128 = arith.extui %eq3A_127 : i1 to i32
      %cond3A_129 = arith.constant 0 : i32
      %cond3A_130 = arith.cmpi ne, %convert_element_type3A_128, %cond3A_129 : i32
      scf.if %cond3A_130 {
        %mul3A_155 = arith.constant 16384 : i32
        %mul3A_156 = arith.muli %shift_right_arithmetic3A_86, %mul3A_155 : i32
        %add3A_157 = arith.addi %mul3A_2, %mul3A_156 : i32
        %and3A_158 = arith.constant 1 : i32
        %and3A_159 = arith.andi %shift_right_arithmetic3A_86, %and3A_158 : i32
        %and3A_160 = arith.constant 1 : i32
        %and3A_161 = arith.andi %shift_right_arithmetic3A_86, %and3A_160 : i32
        %dma_wait3A_162 = arith.constant 0 : i32
        %dma_wait3A_163 = tpu.memref_slice %arg6[%and3A_159, %dma_wait3A_162] : memref<2x16384xf32, #tpu.memory_space<vmem>> -> memref<1x16384xf32, #tpu.memory_space<vmem>>
        %dma_wait3A_164 = tpu.memref_squeeze %dma_wait3A_163 : memref<1x16384xf32, #tpu.memory_space<vmem>> -> memref<16384xf32, #tpu.memory_space<vmem>>
        %dma_wait3A_165 = tpu.memref_slice %arg3[%add3A_157] : memref<8388608xf32, #tpu.memory_space<hbm>> -> memref<16384xf32, #tpu.memory_space<hbm>>
        %dma_wait3A_166 = tpu.memref_slice %arg9[%and3A_161] : memref<2x!tpu.dma_semaphore, #tpu.memory_space<semaphore_mem>> -> memref<1x!tpu.dma_semaphore, #tpu.memory_space<semaphore_mem>>
        %dma_wait3A_167 = tpu.memref_squeeze %dma_wait3A_166 : memref<1x!tpu.dma_semaphore, #tpu.memory_space<semaphore_mem>> -> memref<!tpu.dma_semaphore, #tpu.memory_space<semaphore_mem>>
        %dma_wait3A_168 = arith.constant 0 : i32
        %dma_wait3A_169 = tpu.memref_slice %arg6[%and3A_159, %dma_wait3A_168] : memref<2x16384xf32, #tpu.memory_space<vmem>> -> memref<1x16384xf32, #tpu.memory_space<vmem>>
        %dma_wait3A_170 = tpu.memref_squeeze %dma_wait3A_169 : memref<1x16384xf32, #tpu.memory_space<vmem>> -> memref<16384xf32, #tpu.memory_space<vmem>>
        %dma_wait3A_171 = tpu.memref_slice %arg3[%add3A_157] : memref<8388608xf32, #tpu.memory_space<hbm>> -> memref<16384xf32, #tpu.memory_space<hbm>>
        tpu.wait_dma2 semaphore(%dma_wait3A_167 : memref<!tpu.dma_semaphore, #tpu.memory_space<semaphore_mem>>) src(%dma_wait3A_171 : memref<16384xf32, #tpu.memory_space<hbm>>) dst(%dma_wait3A_170 : memref<16384xf32, #tpu.memory_space<vmem>>)
      } else {
      }
      %and3A_131 = arith.constant 1 : i32
      %and3A_132 = arith.andi %shift_right_arithmetic3A_86, %and3A_131 : i32
      %parallel_loop3A = arith.constant 0 : i32
      %parallel_loop3A_133 = arith.constant 16384 : i32
      %parallel_loop3A_134 = arith.constant 16 : i32
      scf.for %parallel_loop3A_155 = %parallel_loop3A to %parallel_loop3A_133 step %parallel_loop3A_134  : i32 {
        %parallel_loop3A_156 = arith.index_cast %and3A_85 : i32 to index
        %parallel_loop3A_157 = arith.index_cast %parallel_loop3A_155 : i32 to index
        %parallel_loop3A_158 = tpu.vector_load %arg5[%parallel_loop3A_156, %parallel_loop3A_157] {strides = array<i32>} : memref<4x16384xf32, #tpu.memory_space<vmem>>, vector<1x16xf32>,
        %parallel_loop3A_159 = vector.shape_cast %parallel_loop3A_158 : vector<1x16xf32> to vector<16xf32>
        %parallel_loop3A_160 = arith.index_cast %and3A_132 : i32 to index
        %parallel_loop3A_161 = arith.index_cast %parallel_loop3A_155 : i32 to index
        %parallel_loop3A_162 = tpu.vector_load %arg6[%parallel_loop3A_160, %parallel_loop3A_161] {strides = array<i32>} : memref<2x16384xf32, #tpu.memory_space<vmem>>, vector<1x16xf32>,
        %parallel_loop3A_163 = vector.shape_cast %parallel_loop3A_162 : vector<1x16xf32> to vector<16xf32>
        %parallel_loop3A_164 = arith.addf %parallel_loop3A_159, %parallel_loop3A_163 : vector<16xf32>
        %parallel_loop3A_165 = arith.index_cast %and3A_85 : i32 to index
        %parallel_loop3A_166 = arith.index_cast %parallel_loop3A_155 : i32 to index
        %parallel_loop3A_167 = tpu.vector_load %arg5[%parallel_loop3A_165, %parallel_loop3A_166] {strides = array<i32>} : memref<4x16384xf32, #tpu.memory_space<vmem>>, vector<1x16xf32>,
        %parallel_loop3A_168 = vector.shape_cast %parallel_loop3A_167 : vector<1x16xf32> to vector<16xf32>
        %parallel_loop3A_169 = vector.shape_cast %parallel_loop3A_164 : vector<16xf32> to vector<1x16xf32>
        tpu.vector_store %arg5[%parallel_loop3A_165, %parallel_loop3A_166], %parallel_loop3A_169 {strides = array<i32>} : memref<4x16384xf32, #tpu.memory_space<vmem>>, vector<1x16xf32>,
      } {sc.loop_unroll_factor = 8 : i64, sc.parallel_access}
      %shift_right_arithmetic3A_135 = arith.constant 2 : i32
      %shift_right_arithmetic3A_136 = arith.shrsi %scan3A_84, %shift_right_arithmetic3A_135 : i32
      %and3A_137 = arith.constant 3 : i32
      %and3A_138 = arith.andi %scan3A_84, %and3A_137 : i32
      %mul3A_139 = arith.constant 8388608 : i32
      %mul3A_140 = arith.muli %and3A_138, %mul3A_139 : i32
      %add3A_141 = arith.addi %mul3A_140, %mul3A_2 : i32
      %mul3A_142 = arith.constant 16384 : i32
      %mul3A_143 = arith.muli %shift_right_arithmetic3A_136, %mul3A_142 : i32
      %add3A_144 = arith.addi %add3A_141, %mul3A_143 : i32
      %dma_start3A_145 = arith.constant 0 : i32
      %dma_start3A_146 = tpu.memref_slice %arg5[%and3A_85, %dma_start3A_145] : memref<4x16384xf32, #tpu.memory_space<vmem>> -> memref<1x16384xf32, #tpu.memory_space<vmem>>
      %dma_start3A_147 = tpu.memref_squeeze %dma_start3A_146 : memref<1x16384xf32, #tpu.memory_space<vmem>> -> memref<16384xf32, #tpu.memory_space<vmem>>
      %dma_start3A_148 = tpu.memref_slice %arg4[%add3A_144] : memref<33554432xf32, #tpu.memory_space<hbm>> -> memref<16384xf32, #tpu.memory_space<hbm>>
      %dma_start3A_149 = tpu.memref_slice %arg8[%and3A_85] : memref<4x!tpu.dma_semaphore, #tpu.memory_space<semaphore_mem>> -> memref<1x!tpu.dma_semaphore, #tpu.memory_space<semaphore_mem>>
      %dma_start3A_150 = tpu.memref_squeeze %dma_start3A_149 : memref<1x!tpu.dma_semaphore, #tpu.memory_space<semaphore_mem>> -> memref<!tpu.dma_semaphore, #tpu.memory_space<semaphore_mem>>
      %dma_start3A_151 = tpu.memref_slice %arg4[%add3A_144] : memref<33554432xf32, #tpu.memory_space<hbm>> -> memref<16384xf32, #tpu.memory_space<hbm>>
      %dma_start3A_152 = arith.constant 0 : i32
      %dma_start3A_153 = tpu.memref_slice %arg5[%and3A_85, %dma_start3A_152] : memref<4x16384xf32, #tpu.memory_space<vmem>> -> memref<1x16384xf32, #tpu.memory_space<vmem>>
      %dma_start3A_154 = tpu.memref_squeeze %dma_start3A_153 : memref<1x16384xf32, #tpu.memory_space<vmem>> -> memref<16384xf32, #tpu.memory_space<vmem>>
      tpu.enqueue_dma source(%dma_start3A_154 : memref<16384xf32, #tpu.memory_space<vmem>>) target(%dma_start3A_151 : memref<16384xf32, #tpu.memory_space<hbm>>) target_semaphore(%dma_start3A_150 : memref<!tpu.dma_semaphore, #tpu.memory_space<semaphore_mem>>)
    }
    %scan3A_52 = arith.constant 64 : i32
    %add3A_53 = arith.constant 16777216 : i32
    %add3A_54 = arith.addi %add3A_53, %mul3A_2 : i32
    %add3A_55 = arith.constant 245760 : i32
    %add3A_56 = arith.addi %add3A_54, %add3A_55 : i32
    %dma_wait3A = arith.constant 2 : i32
    %dma_wait3A_57 = arith.constant 2 : i32
    %dma_wait3A_58 = arith.constant 0 : i32
    %dma_wait3A_59 = tpu.memref_slice %arg5[%dma_wait3A, %dma_wait3A_58] : memref<4x16384xf32, #tpu.memory_space<vmem>> -> memref<1x16384xf32, #tpu.memory_space<vmem>>
    %dma_wait3A_60 = tpu.memref_squeeze %dma_wait3A_59 : memref<1x16384xf32, #tpu.memory_space<vmem>> -> memref<16384xf32, #tpu.memory_space<vmem>>
    %dma_wait3A_61 = tpu.memref_slice %arg4[%add3A_56] : memref<33554432xf32, #tpu.memory_space<hbm>> -> memref<16384xf32, #tpu.memory_space<hbm>>
    %dma_wait3A_62 = tpu.memref_slice %arg8[%dma_wait3A_57] : memref<4x!tpu.dma_semaphore, #tpu.memory_space<semaphore_mem>> -> memref<1x!tpu.dma_semaphore, #tpu.memory_space<semaphore_mem>>
    %dma_wait3A_63 = tpu.memref_squeeze %dma_wait3A_62 : memref<1x!tpu.dma_semaphore, #tpu.memory_space<semaphore_mem>> -> memref<!tpu.dma_semaphore, #tpu.memory_space<semaphore_mem>>
    %dma_wait3A_64 = tpu.memref_slice %arg4[%add3A_56] : memref<33554432xf32, #tpu.memory_space<hbm>> -> memref<16384xf32, #tpu.memory_space<hbm>>
    %dma_wait3A_65 = arith.constant 0 : i32
    %dma_wait3A_66 = tpu.memref_slice %arg5[%dma_wait3A, %dma_wait3A_65] : memref<4x16384xf32, #tpu.memory_space<vmem>> -> memref<1x16384xf32, #tpu.memory_space<vmem>>
    %dma_wait3A_67 = tpu.memref_squeeze %dma_wait3A_66 : memref<1x16384xf32, #tpu.memory_space<vmem>> -> memref<16384xf32, #tpu.memory_space<vmem>>
    tpu.wait_dma2 semaphore(%dma_wait3A_63 : memref<!tpu.dma_semaphore, #tpu.memory_space<semaphore_mem>>) src(%dma_wait3A_67 : memref<16384xf32, #tpu.memory_space<vmem>>) dst(%dma_wait3A_64 : memref<16384xf32, #tpu.memory_space<hbm>>)
    %add3A_68 = arith.constant 25165824 : i32
    %add3A_69 = arith.addi %add3A_68, %mul3A_2 : i32
    %add3A_70 = arith.constant 245760 : i32
    %add3A_71 = arith.addi %add3A_69, %add3A_70 : i32
    %dma_wait3A_72 = arith.constant 3 : i32
    %dma_wait3A_73 = arith.constant 3 : i32
    %dma_wait3A_74 = arith.constant 0 : i32
    %dma_wait3A_75 = tpu.memref_slice %arg5[%dma_wait3A_72, %dma_wait3A_74] : memref<4x16384xf32, #tpu.memory_space<vmem>> -> memref<1x16384xf32, #tpu.memory_space<vmem>>
    %dma_wait3A_76 = tpu.memref_squeeze %dma_wait3A_75 : memref<1x16384xf32, #tpu.memory_space<vmem>> -> memref<16384xf32, #tpu.memory_space<vmem>>
    %dma_wait3A_77 = tpu.memref_slice %arg4[%add3A_71] : memref<33554432xf32, #tpu.memory_space<hbm>> -> memref<16384xf32, #tpu.memory_space<hbm>>
    %dma_wait3A_78 = tpu.memref_slice %arg8[%dma_wait3A_73] : memref<4x!tpu.dma_semaphore, #tpu.memory_space<semaphore_mem>> -> memref<1x!tpu.dma_semaphore, #tpu.memory_space<semaphore_mem>>
    %dma_wait3A_79 = tpu.memref_squeeze %dma_wait3A_78 : memref<1x!tpu.dma_semaphore, #tpu.memory_space<semaphore_mem>> -> memref<!tpu.dma_semaphore, #tpu.memory_space<semaphore_mem>>
    %dma_wait3A_80 = tpu.memref_slice %arg4[%add3A_71] : memref<33554432xf32, #tpu.memory_space<hbm>> -> memref<16384xf32, #tpu.memory_space<hbm>>
    %dma_wait3A_81 = arith.constant 0 : i32
    %dma_wait3A_82 = tpu.memref_slice %arg5[%dma_wait3A_72, %dma_wait3A_81] : memref<4x16384xf32, #tpu.memory_space<vmem>> -> memref<1x16384xf32, #tpu.memory_space<vmem>>
    %dma_wait3A_83 = tpu.memref_squeeze %dma_wait3A_82 : memref<1x16384xf32, #tpu.memory_space<vmem>> -> memref<16384xf32, #tpu.memory_space<vmem>>
    tpu.wait_dma2 semaphore(%dma_wait3A_79 : memref<!tpu.dma_semaphore, #tpu.memory_space<semaphore_mem>>) src(%dma_wait3A_83 : memref<16384xf32, #tpu.memory_space<vmem>>) dst(%dma_wait3A_80 : memref<16384xf32, #tpu.memory_space<hbm>>)
    return
  }
}

</mosaic_0001>

<sc_bundles>
// kernel: kernel.3.cloned.1.call-start
scs
__scs_entry_jumppad:
0x0: {  	(pc) =	sbr.rel $0x88, $3  }
0x1: {  	(tag) =	ssettag $0x0;
	lr =	simm.s32 $0x1  }
0x2: {  	[smem:$0x3F9F] =	sst lr;
	_ =	strace $0xD0000000  }
0x3: {  	_ = 	snop  }
0x4: {  	_ = 	snop  }
0x5: {  	_ = 	snop  }
0x6: {  	_ = 	snop  }
0x7: {  	_ = 	snop  }
__scs_overlays_trampoline_lowered:
0x8: {  	[smem:$0x3FAE] =	sst s0  }
0x9: {  	[smem:$0x3FAF] =	sst s1  }
0xa: {  	[smem:$0x3FB0] =	sst s2  }
0xb: {  	[smem:$0x3FB1] =	sst s3  }
0xc: {  	[smem:$0x3FB2] =	sst s4  }
0xd: {  	[smem:$0x3FB3] =	sst s5  }
0xe: {  	[smem:$0x3FB4] =	sst s6  }
0xf: {  	[smem:$0x3FB5] =	sst s7  }
0x10: {  	[smem:$0x3FB6] =	sst s8  }
0x11: {  	[smem:$0x3FB7] =	sst s9;
	s0 =	simm.s32 @!p0 $0x0  }
0x12: {  	s1 =	sld [smem:$0x3F9D];
	s0 =	simm.s32 @p0 $0x1  }
0x13: {  	[smem:$0x3FB8] =	sst s0;
	s0 =	simm.s32 @!p1 $0x0  }
0x14: {  	s2 =	sld [smem:$0x3F9C];
	s0 =	simm.s32 @p1 $0x1  }
0x15: {  	[smem:$0x3FB9] =	sst s0;
	s0 =	simm.s32 @!p2 $0x0  }
0x16: {  	s3 =	sld [smem:$0x3FDB];
	s0 =	simm.s32 @p2 $0x1  }
0x17: {  	s4 =	simm.s32 $0x1BF5;
	[smem:$0x3FBB] =	sst s0  }
0x18: {  	s0 =	sld [smem:$0x3F9E];
	_ =	swait.ge [sflag:s4], $0x0  }
0x19: {  	s7 =	sld [smem:$0x3F9F]  }
0x1a: {  	s8 =	sadd.s32 $0xFFFFE003, lr  }
0x1b: {  	s9 =	sadd.s32 $0xFFFFFEF7, lr;
	s5 =	simm.s32 $0xFFFFFFFF;
	p2 =	slt.u32 s8, $0xFFFFF086  }
0x1c: {  	p1 =	slt.u32 s9, $0xF7A;
	s5 =	simm.s32 @!p2 $0x0  }
0x1d: {  	s5 =	simm.s32 @p1 $0x1;
	p0 =	seq.s32 s7, s2  }
0x1e: {  	s7 =	smul.u32 @!p0 $0xF7A, s2;
	p2 =	seq.s32 @!p0 s5, $0x0  }
0x1f: {  	s9 =	smul.u32 $0xF7A, s1;
	s8 =	simm.s32 @!p0 $0x1BF5;
	p2 =	por !p2, p0  }
0x20: {  	[sflag:s8] =	ssyncset.s32 @!p0 $0xFFFFF086;
	s6 =	sadd.s32 @!p0 s3, s7;
	s7 =	simm.s32 @!p0 $0x108  }
0x21: {  	s3 =	sadd.s32 s3, s9;
	s6 =	sadd.s32 @!p0 $0x88, s6;
	s7 =	simm.s32 @p2 $0x1082  }
0x22: {  	[simem:s7], [sflag:s8] =	dma.local @!p0 [hbm:s6], $0xF7A  }
0x23: {  	s9 =	sor.u32 $0xD0000000, s2;
	s6 =	simm.s32 $0x108;
	_ =	swait.ge @!p0 [sflag:s8], $0x0  }
0x24: {  	s3 =	sadd.s32 $0x88, s3;
	s6 =	simm.s32 @!p1 $0x1082;
	[sflag:s4] =	ssyncset.s32 $0xFFFFF086  }
0x25: {  	[simem:s6], [sflag:s4] =	dma.local [hbm:s3], $0xF7A  }
0x26: {  	[smem:$0x3F9F] =	sst s1;
	(tag) =	ssettag s2;
	_ =	strace s9  }
0x27: {  	s1 =	sld [smem:$0x3FAF]  }
0x28: {  	s2 =	sld [smem:$0x3FB0]  }
0x29: {  	s4 =	sld [smem:$0x3FB2]  }
0x2a: {  	p0 =	seq.s32 s5, $0x0;
	s5 =	sld [smem:$0x3FB3]  }
0x2b: {  	s6 =	sld [smem:$0x3FB4]  }
0x2c: {  	s7 =	sld [smem:$0x3FB5]  }
0x2d: {  	s3 =	simm.s32 $0x108;
	s8 =	sld [smem:$0x3FB6]  }
0x2e: {  	s3 =	simm.s32 @!p0 $0x1082;
	s9 =	sld [smem:$0x3FB7]  }
0x2f: {  	lr =	sadd.s32 s0, s3;
	s0 =	sld [smem:$0x3FAE]  }
0x30: {  	s3 =	sld [smem:$0x3FB1]  }
0x31: {  	[smem:$0x3FBA] =	sst s10  }
0x32: {  	s10 =	sld [smem:$0x3FB8];
	_ =	sdelay $0x3  }
0x33: {  	p0 =	seq.s32 s10, $0x1;
	s10 =	sld [smem:$0x3FBA];
	_ =	sdelay $0x3  }
0x34: {  	[smem:$0x3FBA] =	sst s10  }
0x35: {  	s10 =	sld [smem:$0x3FB9];
	_ =	sdelay $0x3  }
0x36: {  	p1 =	seq.s32 s10, $0x1;
	s10 =	sld [smem:$0x3FBA];
	_ =	sdelay $0x3  }
0x37: {  	[smem:$0x3FBA] =	sst s10  }
0x38: {  	s10 =	sld [smem:$0x3FBB]  }
0x39: {  	_ = 	snop;
	(pc) =	sbr.ind lr, $3  }
0x3a: {  	_ = 	snop  }
0x3b: {  	_ = 	snop  }
0x3c: {  	p2 =	seq.s32 s10, $0x1;
	s10 =	sld [smem:$0x3FBA]  }
0x3d: {  	_ =	shalt  }
0x3e: {  	_ =	shalt  }
0x3f: {  	_ =	shalt  }
0x40: {  	_ =	shalt  }
0x41: {  	_ =	shalt  }
0x42: {  	_ =	shalt  }
0x43: {  	_ =	shalt  }
0x44: {  	_ =	shalt  }
0x45: {  	_ =	shalt  }
0x46: {  	_ =	shalt  }
0x47: {  	_ =	shalt  }
0x48: {  	_ =	shalt  }
0x49: {  	_ =	shalt  }
0x4a: {  	_ =	shalt  }
0x4b: {  	_ =	shalt  }
0x4c: {  	_ =	shalt  }
0x4d: {  	_ =	shalt  }
0x4e: {  	_ =	shalt  }
0x4f: {  	_ =	shalt  }
0x50: {  	_ =	shalt  }
0x51: {  	_ =	shalt  }
0x52: {  	_ =	shalt  }
0x53: {  	_ =	shalt  }
0x54: {  	_ =	shalt  }
0x55: {  	_ =	shalt  }
0x56: {  	_ =	shalt  }
0x57: {  	_ =	shalt  }
0x58: {  	_ =	shalt  }
0x59: {  	_ =	shalt  }
0x5a: {  	_ =	shalt  }
0x5b: {  	_ =	shalt  }
0x5c: {  	_ =	shalt  }
0x5d: {  	_ =	shalt  }
0x5e: {  	_ =	shalt  }
0x5f: {  	_ =	shalt  }
0x60: {  	_ =	shalt  }
0x61: {  	_ =	shalt  }
0x62: {  	_ =	shalt  }
0x63: {  	_ =	shalt  }
0x64: {  	_ =	shalt  }
0x65: {  	_ =	shalt  }
0x66: {  	_ =	shalt  }
0x67: {  	_ =	shalt  }
0x68: {  	_ =	shalt  }
0x69: {  	_ =	shalt  }
0x6a: {  	_ =	shalt  }
0x6b: {  	_ =	shalt  }
0x6c: {  	_ =	shalt  }
0x6d: {  	_ =	shalt  }
0x6e: {  	_ =	shalt  }
0x6f: {  	_ =	shalt  }
0x70: {  	_ =	shalt  }
0x71: {  	_ =	shalt  }
0x72: {  	_ =	shalt  }
0x73: {  	_ =	shalt  }
0x74: {  	_ =	shalt  }
0x75: {  	_ =	shalt  }
0x76: {  	_ =	shalt  }
0x77: {  	_ =	shalt  }
0x78: {  	_ =	shalt  }
0x79: {  	_ =	shalt  }
0x7a: {  	_ =	shalt  }
0x7b: {  	_ =	shalt  }
0x7c: {  	_ =	shalt  }
0x7d: {  	_ =	shalt  }
0x7e: {  	_ =	shalt  }
0x7f: {  	_ =	shalt  }
0x80: {  	_ =	shalt  }
0x81: {  	_ =	shalt  }
0x82: {  	_ =	shalt  }
0x83: {  	_ =	shalt  }
0x84: {  	_ =	shalt  }
0x85: {  	_ =	shalt  }
0x86: {  	_ =	shalt  }
0x87: {  	_ =	shalt  }
.Lfunc_end0:
.L_simem_size_0:
called_computation.2_lowered:
.L_overlay_start_0:
0x88: {  	s2 =	sld [smem:$0x3FD9]  }
0x89: {  	s3 =	sld [smem:$0x3FFE];
	_ =	sdelay $0x1  }
0x8a: {  	s1 =	srdreg.scid  }
0x8b: {  	s0 =	sand.u32 $0x1, s1  }
0x8c: {  	s17 =	sshll.u32 s0, $0xA;
	s2 =	sadd.s32 s3, s2  }
0x8d: {  	s2 =	sadd.s32 s2, s17  }
0x8e: {  	[smem:$0x3FC6] =	sst s2  }
0x8f: {  	_ = 	snop  }
0x90: {  	s2 =	sld [smem:$0x3FD0];
	(tm) =	ssettm $0x1  }
0x91: {  	s18 =	sld [smem:$0x3FFB];
	_ =	sdelay $0x3  }
0x92: {  	_ =	strace s18  }
0x93: {  	s3 =	sld [smem:$0x3FFC];
	_ =	sdelay $0x3  }
0x94: {  	_ =	strace s3  }
0x95: {  	s3 =	sld [smem:$0x3FFD];
	_ =	sdelay $0x3  }
0x96: {  	_ =	strace s3  }
0x97: {  	_ =	strace $0x8FFFFFFF  }
0x98: {  	s19 =	sld [smem:$0x3FDB];
	_ =	sdelay $0x1  }
0x99: {  	s4 =	simm.s32 $_scs_section_size  }
0x9a: {  	s5 =	simm.s32 $_size__tile_overlayer_lowered;
	s6 =	simm.s32 $_tile_overlayer_lowered  }
0x9b: {  	s22 =	simm.s32 $0x1BFF;
	s21 =	sshll.u32 s6, $0x1;
	s3 =	sadd.s32 s4, s19  }
0x9c: {  	s7 =	simm.s32 $0x0;
	s20 =	sshll.u32 s5, $0x1;
	s5 =	sadd.s32 s21, s3  }
0x9d: {  	[timem:s7], [sflag:s22] =	dma.local [hbm:s5], s20  }
0x9e: {  	_ =	swait.ge [sflag:s22], s20  }
0x9f: {  	s4 =	ssub.s32 $0x0, s20;
	[sflag:s22] =	ssyncset.done $0x0  }
0xa0: {  	[sflag:s22] =	ssyncadd.s32 s4;
	_ =	sdelay $0x1  }
0xa1: {  	s23 =	simm.s32 $0x1B8B  }
0xa2: {  	_ =	swait.ge [sflag:s23], $0x1  }
0xa3: {  	[sflag:s23] =	ssyncset.done $0x0  }
0xa4: {  	s25 =	simm.s32 $0x1B8E;
	s24 =	sld [smem:$0x3FFE];
	[sflag:s23] =	ssyncadd.s32 $0xFFFFFFFF  }
0xa5: {  	s26 =	simm.s32 $execute0_lowered;
	[smem:$0x3FD2] =	sst s25  }
0xa6: {  	s5 =	sshll.u32 s26, $0x1;
	_ =	strace $0x8000004C;
	[dreg:$0x1] =	wrdreg $0xFFFFFFFF  }
0xa7: {  	s28 =	simm.s32 $_size_execute0_lowered;
	s3 =	sadd.s32 s3, s5;
	[dreg:$0x0] =	wrdreg $0x0  }
0xa8: {  	s5 =	sshll.u32 s28, $0x1;
	[dreg:$0x2] =	wrdreg s3  }
0xa9: {  	[dreg:$0x3] =	wrdreg s5  }
0xaa: {  	[dreg:$0x4] =	wrdreg $0xC0  }
0xab: {  	_ =	task [dreg:s7], $0x5FFFF  }
0xac: {  	[dreg:$0x1] =	wrdreg $0xFFFFFFFF  }
0xad: {  	[dreg:$0x0] =	wrdreg $0x60  }
0xae: {  	[dreg:$0x2] =	wrdreg s2  }
0xaf: {  	[dreg:$0x3] =	wrdreg s24  }
0xb0: {  	[dreg:$0x4] =	wrdreg $0x9  }
0xb1: {  	_ =	task.clear_ibuf [dreg:s7], $0x5FFFF;
	_ =	strace $0x9000004C  }
0xb2: {  	s29 =	simm.s32 $0x9;
	_ =	strace $0x8000004E  }
0xb3: {  	_ =	swait.ge [sflag:s29], $0x1  }
0xb4: {  	[sflag:s29] =	ssyncadd.s32 $0xFFFFFFFF  }
0xb5: {  	_ =	strace $0x9000004E  }
0xb6: {  	_ =	sfence  }
0xb7: {  	s30 =	sld [smem:$0x0];
	_ =	sdelay $0x2  }
0xb8: {  	s31 =	sshll.u32 s1, $0xD;
	s1 =	sshrl.u32 s1, $0x2  }
0xb9: {  	s3 =	sand.u32 $0x4000, s31;
	s1 =	sadd.s32 s1, s30  }
0xba: {  	s0 =	sor.u32 s3, s0;
	s1 =	sshll.u32 s1, $0x11  }
0xbb: {  	s0 =	sor.u32 s1, s0  }
0xbc: {  	s0 =	sadd.s32 $0x8F2B, s0  }
0xbd: {  	[sflag:s0] =	ssyncadd.remote.s32 $0x1  }
0xbe: {  	_ =	sfence.sel $0xFFFF  }
0xbf: {  	[dreg:$0x0] =	wrdreg $0xFFFFFFFF;
	(pc) =	sbr.abs _section_cstart, $3  }
0xc0: {  	[dreg:$0x1] =	wrdreg $0xFFFFFFFF  }
0xc1: {  	_ =	task.clear_ibuf [dreg:s7], $0x2FFFF;
	_ =	strace $0x9FFFFFFF  }
0xc2: {  	(tm) =	ssettm $0x7FFFFFFF  }
0xc3: {  	_ =	shalt  }
tec
execute0_lowered:
.L_overlay_start_1:
0x0: {  	(tag) =	ssettag $0x1  }
0x1: {  	s1 =	rddreg [dreg:$0x0]  }
0x2: {  	s6 =	rddreg [dreg:$0x1]  }
0x3: {  	s0 =	rddreg [dreg:$0x2];
	s4 =	srdreg.scid  }
0x4: {  	s3 =	simm.s32 $0x0;
	s2 =	stileid.u32;
	s11 =	simm.s32 $0x7  }
0x5: {  	s12 =	simm.s32 $0x8;
	s13 =	simm.s32 $0x0;
	s4 =	sand.u32 $0x1, s4  }
0x6: {  	[smem:$0x7FF] =	sst s3;
	s5 =	sshll.u32 s2, $0x13;
	s7 =	sshll.u32 s4, $0x12  }
0x7: {  	_ =	strace $0x8000004D;
	s8 =	ssub.s32 $0x2, s4;
	s4 =	sor.u32 s7, s5  }
0x8: {  	s5 =	sadd.s32 $0xC00, s6;
	s31 =	sshrl.u32 s8, $0x1;
	s9 =	sshrl.u32 s4, $0x3  }
0x9: {  	s6 =	sadd.s32 $0x100C00, s6;
	s10 =	ssub.s32 s8, s31;
	s7 =	sadd.s32 s1, s9  }
0xa: {  	s8 =	sadd.s32 s5, s9;
	s10 =	smax.u32 s10, $0x1;
	s9 =	sadd.s32 $0x100000, s7  }
.LBB2_1:
0xb: {  	s14 =	simm.s32 $0x10000  }
0xc: {  	s15 =	simm.s32 $0x10;
	s17 =	sadd.s32 $0x0, s8;
	s16 =	simm.s32 $0x10100  }
.LBB2_2:
0xd: {  	[tilespmem:s14], [sflag:$0x9] =	stream.linear.gather [hbm4b:s17+s3], $0x80, $0x38;
	[tilespmem:$0x18000] =	vst v63  }
0xe: {  	s17 =	smov.u32 s15;
	s14 =	smov.u32 s16;
	p0 =	sne.s32 s15, $0x7F0  }
.Ltmp0:
0xf: {  	s15 =	sadd.s32 $0x10, s15;
	(pc) =	sbr.rel @p0 .LBB2_2-.Ltmp0, $2  }
0x10: {  	_ =	sdelay $0x2  }
0x11: {  	s16 =	sadd.s32 $0x100, s16;
	s17 =	sadd.s32 s17, s8  }
0x12: {  	[tilespmem:s14], [sflag:$0x9] =	stream.linear.gather [hbm4b:s17+s3], $0x80, $0x38;
	[tilespmem:$0x18000] =	vst v63  }
0x13: {  	s14 =	simm.s32 $0x0  }
0x14: {  	s15 =	simm.s32 $0x10;
	s17 =	sadd.s32 $0x0, s7;
	s16 =	simm.s32 $0x200  }
.LBB2_4:
0x15: {  	[tilespmem:s14], [sflag:$0x1] =	stream.linear.gather [hbm4b:s17+s3], $0x80, $0x38;
	[tilespmem:$0x18000] =	vst v63  }
0x16: {  	s17 =	smov.u32 s15;
	s14 =	smov.u32 s16;
	p0 =	sne.s32 s15, $0x7F0  }
.Ltmp1:
0x17: {  	s15 =	sadd.s32 $0x10, s15;
	(pc) =	sbr.rel @p0 .LBB2_4-.Ltmp1, $2  }
0x18: {  	_ =	sdelay $0x2  }
0x19: {  	s16 =	sadd.s32 $0x200, s16;
	s17 =	sadd.s32 s17, s7  }
0x1a: {  	[tilespmem:s14], [sflag:$0x1] =	stream.linear.gather [hbm4b:s17+s3], $0x80, $0x38;
	[tilespmem:$0x18000] =	vst v63  }
0x1b: {  	s14 =	simm.s32 $0x0;
	s15 =	simm.s32 $0x80;
	s16 =	simm.s32 $0x0  }
.LBB2_6:
0x1c: {  	p0 =	sne.s32 s16, $0x7F0  }
.Ltmp2:
0x1d: {  	_ = 	snop;
	(pc) =	sbr.rel @p0 .LBB2_6-.Ltmp2, $4  }
0x1e: {  	_ = 	snop  }
0x1f: {  	s17 =	sadd.s32 s16, s9  }
0x20: {  	[tilespmem:s15], [sflag:$0x2] =	stream.linear.gather [hbm4b:s17+s14], $0x80, $0x38;
	[tilespmem:$0x18000] =	vst v63  }
0x21: {  	s16 =	sadd.s32 $0x10, s16;
	s15 =	sadd.s32 $0x200, s15  }
0x22: {  	s15 =	simm.s32 $0x2;
	s16 =	simm.s32 $0x0  }
.LBB2_8:
0x23: {  	p0 =	slt.u32 s16, $0x2  }
0x24: {  	p1 =	slt.u32 @!p0 s16, $0x3E  }
0x25: {  	s17 =	sand.u32 $0x3, s16;
	p1 =	por p0, p1  }
.Ltmp3:
0x26: {  	s18 =	sxor.u32 @!p0 $0x2, s17;
	(pc) =	sbr.rel @!p1 .LBB2_9-.Ltmp3, $4  }
0x27: {  	s18 =	sadd.s32 @!p0 $0x5, s18  }
0x28: {  	_ =	swait.ge @!p0 [sflag:s18], $0x4000  }
0x29: {  	[sflag:s18] =	ssyncset.done @!p0 $0x0  }
0x2a: {  	s19 =	sshrl.u32 s16, $0x2;
	[sflag:s18] =	ssyncadd.s32 @!p0 $0xFFFFC000  }
0x2b: {  	s30 =	sadd.s32 $0x2, s16  }
0x2c: {  	s18 =	sand.u32 $0x1, s19;
	s21 =	simm.s32 $0x1;
	s20 =	sand.u32 $0x3, s30  }
0x2d: {  	p0 =	seq.s32 s18, $0x1;
	s18 =	sshll.u32 s30, $0xC;
	s22 =	sshll.u32 s20, $0x17  }
0x2e: {  	p0 =	por !p0, !p0;
	s18 =	sand.u32 $0x7C000, s18;
	s22 =	sor.u32 s4, s22  }
0x2f: {  	s31 =	sand.u32 $0x3, s15;
	s21 =	simm.s32 @!p0 $0x0;
	s22 =	sadd.s32 s18, s22  }
0x30: {  	s23 =	simm.s32 $0x10;
	s21 =	sshll.u32 s21, $0x7;
	s22 =	sshrl.u32 s22, $0x3  }
0x31: {  	s18 =	sor.u32 $0x10000, s21;
	s21 =	sshll.u32 s31, $0x7;
	s22 =	sadd.s32 s1, s22  }
0x32: {  	s20 =	sadd.s32 $0x1, s20;
	s24 =	sadd.s32 $0x200, s21;
	s25 =	sadd.s32 $0x0, s22  }
.LBB2_11:
0x33: {  	[tilespmem:s21], [sflag:s20] =	stream.linear.gather [hbm4b:s25+s3], $0x80, $0x38;
	[tilespmem:$0x18000] =	vst v63  }
0x34: {  	s25 =	smov.u32 s23;
	s21 =	smov.u32 s24;
	p0 =	sne.s32 s23, $0x7F0  }
.Ltmp4:
0x35: {  	s23 =	sadd.s32 $0x10, s23;
	(pc) =	sbr.rel @p0 .LBB2_11-.Ltmp4, $2  }
0x36: {  	_ =	sdelay $0x2  }
0x37: {  	s24 =	sadd.s32 $0x200, s24;
	s25 =	sadd.s32 s25, s22  }
0x38: {  	p1 =	sgt.u32 s16, $0x3B  }
0x39: {  	p0 =	sne.s32 @!p1 s17, $0x0  }
0x3a: {  	p0 =	por p1, p0  }
.Ltmp5:
0x3b: {  	_ = 	snop;
	(pc) =	sbr.rel @p0 .LBB2_13-.Ltmp5, $2  }
0x3c: {  	_ =	sdelay $0x2  }
0x3d: {  	[tilespmem:s21], [sflag:s20] =	stream.linear.gather [hbm4b:s25+s3], $0x80, $0x38;
	[tilespmem:$0x18000] =	vst v63  }
0x3e: {  	s20 =	sadd.s32 $0x1, s19  }
0x3f: {  	s21 =	sshll.u32 s20, $0xE  }
0x40: {  	s21 =	sadd.s32 s4, s21  }
0x41: {  	s20 =	sand.u32 $0x1, s20;
	s21 =	sshrl.u32 s21, $0x3  }
0x42: {  	s22 =	simm.s32 $0x0;
	s20 =	sadd.s32 $0x9, s20;
	s21 =	sadd.s32 s5, s21  }
.LBB2_15:
0x43: {  	p0 =	sne.s32 s22, $0x7F0  }
.Ltmp6:
0x44: {  	_ = 	snop;
	(pc) =	sbr.rel @p0 .LBB2_15-.Ltmp6, $4  }
0x45: {  	_ = 	snop  }
0x46: {  	s23 =	sadd.s32 s22, s21  }
0x47: {  	[tilespmem:s18], [sflag:s20] =	stream.linear.gather [hbm4b:s23+s3], $0x80, $0x38;
	[tilespmem:$0x18000] =	vst v63  }
0x48: {  	s22 =	sadd.s32 $0x10, s22;
	s18 =	sadd.s32 $0x100, s18  }
.Ltmp7:
0x49: {  	(pc) =	sbr.rel .LBB2_17-.Ltmp7, $2  }
0x4a: {  	_ =	sdelay $0x2  }
0x4b: {  	p0 =	por $0x1, $0x1  }
.LBB2_9:
.Ltmp8:
0x4c: {  	(pc) =	sbr.rel .LBB2_17-.Ltmp8, $2  }
0x4d: {  	_ =	sdelay $0x2  }
0x4e: {  	p0 =	seq.s32 s17, $0x0  }
.LBB2_13:
0x4f: {  	p0 =	seq.s32 s17, $0x0  }
0x50: {  	p0 =	por @!p1 p0, p0  }
.LBB2_17:
0x51: {  	s18 =	sadd.s32 $0x1, s17  }
0x52: {  	_ =	swait.ge [sflag:s18], $0x4000  }
0x53: {  	s20 =	sand.u32 @p0 $0x1, s19;
	[sflag:s18] =	ssyncset.done $0x0  }
0x54: {  	s21 =	sadd.s32 @p0 $0x9, s20;
	[sflag:s18] =	ssyncadd.s32 $0xFFFFC000  }
0x55: {  	s29 =	sshll.u32 s14, $0x7;
	_ =	swait.ge @p0 [sflag:s21], $0x4000  }
0x56: {  	s22 =	sshll.u32 s16, $0x5;
	s18 =	sand.u32 $0x180, s29;
	[sflag:s21] =	ssyncset.done @p0 $0x0  }
0x57: {  	s22 =	sand.u32 $0x80, s22;
	s20 =	sor.u32 $0x40, s18;
	[sflag:s21] =	ssyncadd.s32 @p0 $0xFFFFC000  }
0x58: {  	s21 =	sor.u32 $0x10040, s22;
	v1 =	vld [tilespmem:s20+$0x30]  }
0x59: {  	v2 =	vld [tilespmem:s21+$0x30]  }
0x5a: {  	v0 =	vld [tilespmem:s21+$0xFFFFFFC0]  }
0x5b: {  	v3 =	vld [tilespmem:s20+$0xFFFFFFD0]  }
0x5c: {  	v4 =	vld [tilespmem:s21+$0xFFFFFFD0]  }
0x5d: {  	v5 =	vld [tilespmem:s20+$0xFFFFFFE0]  }
0x5e: {  	v6 =	vld [tilespmem:s21+$0xFFFFFFE0]  }
0x5f: {  	v7 =	vld [tilespmem:s20+$0xFFFFFFF0]  }
0x60: {  	v8 =	vld [tilespmem:s21+$0xFFFFFFF0]  }
0x61: {  	v9 =	vld [tilespmem:s20+$0x0]  }
0x62: {  	v10 =	vld [tilespmem:s21+$0x0];
	v2 =	vadd.f32 v2, v1  }
0x63: {  	v3 =	vadd.f32 v4, v3;
	v1 =	vld [tilespmem:s20+$0x10]  }
0x64: {  	v4 =	vadd.f32 v6, v5;
	[tilespmem:s20+$0x30] =	vst v2;
	v2 =	vld [tilespmem:s21+$0x10]  }
0x65: {  	s30 =	sshll.u32 s17, $0x17;
	s31 =	sshll.u32 s19, $0xE;
	v6 =	vadd.f32 v8, v7;
	[tilespmem:s20+$0xFFFFFFD0] =	vst v3;
	v3 =	vld [tilespmem:s20+$0x20]  }
0x66: {  	s19 =	sadd.s32 s31, s30;
	[tilespmem:s20+$0xFFFFFFE0] =	vst v4;
	v4 =	vld [tilespmem:s21+$0x20]  }
0x67: {  	s19 =	sadd.s32 s4, s19;
	s23 =	sadd.s32 $0x200, s20;
	s22 =	simm.s32 $0x0;
	v5 =	vld [tilespmem:s20+$0xFFFFFFC0];
	[tilespmem:s20+$0xFFFFFFF0] =	vst v6;
	v6 =	vadd.f32 v10, v9  }
.LBB2_18:
0x68: {  	v7 =	vld [tilespmem:s23+$0x30];
	s21 =	sadd.s32 $0x100, s21  }
0x69: {  	s22 =	sadd.s32 $0x80, s22;
	v8 =	vld [tilespmem:s21+$0x30];
	[tilespmem:s20+$0x0] =	vst v6;
	v1 =	vadd.f32 v2, v1  }
0x6a: {  	p0 =	slt.u32 s22, $0x3F80;
	v2 =	vld [tilespmem:s21+$0xFFFFFFC0]  }
0x6b: {  	v6 =	vld [tilespmem:s23+$0xFFFFFFD0];
	[tilespmem:s20+$0x10] =	vst v1;
	v1 =	vadd.f32 v4, v3  }
0x6c: {  	v3 =	vld [tilespmem:s21+$0xFFFFFFD0];
	v9 =	vadd.f32 v0, v5  }
0x6d: {  	v4 =	vld [tilespmem:s23+$0xFFFFFFE0];
	[tilespmem:s20+$0x20] =	vst v1  }
0x6e: {  	v1 =	vld [tilespmem:s21+$0xFFFFFFE0];
	v5 =	vadd.f32 v8, v7;
	[tilespmem:s20+$0xFFFFFFC0] =	vst v9;
	s20 =	smov.u32 s23  }
0x6f: {  	v7 =	vld [tilespmem:s23+$0xFFFFFFF0];
	v0 =	vmov v2  }
0x70: {  	v8 =	vld [tilespmem:s21+$0xFFFFFFF0];
	[tilespmem:s23+$0x30] =	vst v5  }
0x71: {  	v2 =	vadd.f32 v3, v6;
	v6 =	vld [tilespmem:s23+$0x0]  }
0x72: {  	v9 =	vld [tilespmem:s21+$0x0]  }
.Ltmp9:
0x73: {  	[tilespmem:s23+$0xFFFFFFD0] =	vst v2;
	v3 =	vadd.f32 v1, v4;
	v1 =	vld [tilespmem:s23+$0x10];
	(pc) =	sbr.rel @p0 .LBB2_18-.Ltmp9, $4  }
0x74: {  	v2 =	vld [tilespmem:s21+$0x10]  }
0x75: {  	[tilespmem:s23+$0xFFFFFFE0] =	vst v3;
	v7 =	vadd.f32 v8, v7;
	v3 =	vld [tilespmem:s23+$0x20]  }
0x76: {  	v4 =	vld [tilespmem:s21+$0x20]  }
0x77: {  	s23 =	sadd.s32 $0x200, s23;
	v5 =	vld [tilespmem:s20+$0xFFFFFFC0];
	[tilespmem:s20+$0xFFFFFFF0] =	vst v7;
	v6 =	vadd.f32 v9, v6  }
0x78: {  	_ =	sdelay $0x1  }
0x79: {  	v1 =	vadd.f32 v2, v1  }
0x7a: {  	[tilespmem:s20+$0x0] =	vst v6;
	v63 =	vadd.f32 v4, v3  }
0x7b: {  	s19 =	sshrl.u32 s19, $0x3;
	[tilespmem:s20+$0x10] =	vst v1;
	v0 =	vadd.f32 v0, v5  }
0x7c: {  	s17 =	sadd.s32 $0x5, s17;
	s19 =	sadd.s32 s6, s19;
	[tilespmem:s20+$0x20] =	vst v63  }
0x7d: {  	s21 =	sadd.s32 $0x200, s18;
	s22 =	sadd.s32 $0x0, s19;
	[tilespmem:s20+$0xFFFFFFC0] =	vst v0;
	s20 =	simm.s32 $0x10  }
.LBB2_20:
0x7e: {  	[hbm4b:s22+s3] =	stream.linear.scatter [tilespmem:s18], [sflag:s17], $0x80, $0x38;
	[tilespmem:$0x18000] =	vst v63  }
0x7f: {  	s22 =	smov.u32 s20;
	s18 =	smov.u32 s21;
	p0 =	sne.s32 s20, $0x7F0  }
.Ltmp10:
0x80: {  	s20 =	sadd.s32 $0x10, s20;
	(pc) =	sbr.rel @p0 .LBB2_20-.Ltmp10, $2  }
0x81: {  	_ =	sdelay $0x2  }
0x82: {  	s21 =	sadd.s32 $0x200, s21;
	s22 =	sadd.s32 s22, s19  }
0x83: {  	s16 =	sadd.s32 $0x1, s16  }
0x84: {  	p0 =	sne.s32 s16, $0x40  }
.Ltmp11:
0x85: {  	_ = 	snop;
	(pc) =	sbr.rel @p0 .LBB2_8-.Ltmp11, $3  }
0x86: {  	_ =	sdelay $0x1  }
0x87: {  	[hbm4b:s22+s3] =	stream.linear.scatter [tilespmem:s18], [sflag:s17], $0x80, $0x38;
	[tilespmem:$0x18000] =	vst v63  }
0x88: {  	s15 =	sadd.s32 $0x1, s15;
	s14 =	sadd.s32 $0x1, s14  }
0x89: {  	s13 =	sadd.s32 $0x1, s13  }
0x8a: {  	_ =	swait.ge [sflag:s11], $0x4000;
	p0 =	sne.s32 s13, s10  }
.Ltmp12:
0x8b: {  	[sflag:s11] =	ssyncset.done $0x0;
	(pc) =	sbr.rel @p0 .LBB2_1-.Ltmp12, $4  }
0x8c: {  	[sflag:s11] =	ssyncadd.s32 $0xFFFFC000  }
0x8d: {  	_ =	swait.ge [sflag:s12], $0x4000  }
0x8e: {  	[sflag:s12] =	ssyncset.done $0x0  }
0x8f: {  	[sflag:s12] =	ssyncadd.s32 $0xFFFFC000  }
0x90: {  	_ =	sfence.sel $0x180000  }
0x91: {  	[bflag:$0x0] =	sbarrier.arrive $0xFFFF  }
0x92: {  	p0 =	sne.s32 s2, $0x0;
	_ =	strace $0x9000004D  }
0x93: {  	s0 =	sadd.s32 @!p0 $0x100000, s0;
	[bflag:$0x2] =	sbarrier.arrive $0xFFFF  }
0x94: {  	[sflag:s0] =	ssyncadd.tile.s32 @!p0 $0x1;
	_ =	shalt  }
.Lfunc_end2:
_tile_overlayer_lowered:
.L_overlay_start_2:
0x95: {  	(tag) =	ssettag $0x2  }
0x96: {  	s0 =	rddreg [dreg:$0x0];
	s2 =	stileid.u32  }
0x97: {  	s1 =	rddreg [dreg:$0x1];
	p0 =	sne.s32 s2, $0x0  }
0x98: {  	s3 =	rddreg [dreg:$0x2];
	[bflag:$0x3] =	sbarrier.arrive $0xFFFF;
	s2 =	simm.s32 @!p0 $0x1C0B  }
0x99: {  	[timem:s3], [sflag:s2] =	dma.local @!p0 [hbm:s0], s1  }
0x9a: {  	s0 =	simm.s32 @!p0 $0xB  }
0x9b: {  	_ =	swait.ge @!p0 [sflag:s0], s1  }
0x9c: {  	s1 =	ssub.s32 @!p0 $0x0, s1;
	[sflag:s0] =	ssyncset.done @!p0 $0x0  }
0x9d: {  	[sflag:s0] =	ssyncadd.s32 @!p0 s1  }
0x9e: {  	[bflag:$0x3] =	sbarrier.arrive $0xFFFF  }
0x9f: {  	_ =	shalt  }

// kernel: sparse-core-data-format-call.1.cloned.1.call-start
scs
called_computation.1_lowered:
.L_overlay_start_0:
0x0: {  	s2 =	sld [smem:$0x3FD9]  }
0x1: {  	s3 =	sld [smem:$0x3FFE];
	_ =	sdelay $0x1  }
0x2: {  	s1 =	srdreg.scid  }
0x3: {  	s0 =	sand.u32 $0x1, s1  }
0x4: {  	s19 =	sshll.u32 s0, $0xA;
	s2 =	sadd.s32 s3, s2  }
0x5: {  	s2 =	sadd.s32 s2, s19  }
0x6: {  	[smem:$0x3FC6] =	sst s2  }
0x7: {  	_ = 	snop  }
0x8: {  	s20 =	sld [smem:$0x3FC9]  }
0x9: {  	s4 =	sld [smem:$0x3FD0];
	(tm) =	ssettm $0x1  }
0xa: {  	s21 =	sld [smem:$0x3FFB];
	_ =	sdelay $0x3  }
0xb: {  	_ =	strace s21  }
0xc: {  	s2 =	sld [smem:$0x3FFC];
	_ =	sdelay $0x3  }
0xd: {  	_ =	strace s2  }
0xe: {  	s2 =	sld [smem:$0x3FFD];
	_ =	sdelay $0x3  }
0xf: {  	_ =	strace s2  }
0x10: {  	_ =	strace $0x8FFFFFFF  }
0x11: {  	s22 =	sld [smem:$0x3FDB];
	_ =	sdelay $0x1  }
0x12: {  	s5 =	simm.s32 $_scs_section_size  }
0x13: {  	s6 =	simm.s32 $_size__tile_overlayer_lowered;
	s7 =	simm.s32 $_tile_overlayer_lowered  }
0x14: {  	s8 =	simm.s32 $0x1BFF;
	s23 =	sshll.u32 s7, $0x1;
	s5 =	sadd.s32 s5, s22  }
0x15: {  	s24 =	simm.s32 $0x0;
	s6 =	sshll.u32 s6, $0x1;
	s7 =	sadd.s32 s23, s5  }
0x16: {  	[timem:s24], [sflag:s8] =	dma.local [hbm:s7], s6  }
0x17: {  	_ =	swait.ge [sflag:s8], s6  }
0x18: {  	s6 =	ssub.s32 $0x0, s6;
	[sflag:s8] =	ssyncset.done $0x0  }
0x19: {  	[sflag:s8] =	ssyncadd.s32 s6;
	_ =	sdelay $0x1  }
0x1a: {  	s25 =	simm.s32 $0x1B8B  }
0x1b: {  	_ =	swait.ge [sflag:s25], $0x1  }
0x1c: {  	[sflag:s25] =	ssyncset.done $0x0  }
0x1d: {  	[sflag:s25] =	ssyncadd.s32 $0xFFFFFFFF  }
0x1e: {  	s6 =	sld [smem:$0x0]  }
0x1f: {  	s7 =	sand.u32 $0xFFFFFFFE, s1  }
0x20: {  	p0 =	sne.s32 s1, s7  }
0x21: {  	s7 =	sshll.u32 @p0 s7, $0xE  }
0x22: {  	s7 =	sadd.s32 @p0 $0x11B8D, s7;
	s8 =	sshll.u32 @p0 s6, $0x11  }
0x23: {  	s7 =	sor.u32 @p0 s8, s7  }
0x24: {  	[sflag:s7] =	ssyncadd.remote.s32 @p0 $0x1;
	_ =	sdelay $0x1  }
0x25: {  	s7 =	simm.s32 @p0 $0x1B8D  }
0x26: {  	_ =	swait.eq @p0 [sflag:s7], $0x1  }
0x27: {  	[sflag:s7] =	ssyncadd.s32 @p0 $0xFFFFFFFF  }
0x28: {  	s8 =	sshll.u32 @!p0 s1, $0xE  }
0x29: {  	s8 =	sor.u32 @!p0 $0x4000, s8;
	s7 =	simm.s32 @!p0 $0x1B8D  }
0x2a: {  	s6 =	sshll.u32 @!p0 s6, $0x11;
	s8 =	sadd.s32 @!p0 $0x11B8D, s8;
	_ =	swait.eq @!p0 [sflag:s7], $0x1  }
0x2b: {  	s6 =	sor.u32 @!p0 s6, s8;
	[sflag:s7] =	ssyncadd.s32 @!p0 $0xFFFFFFFF  }
0x2c: {  	s26 =	simm.s32 $0x1B8E;
	[sflag:s6] =	ssyncadd.remote.s32 @!p0 $0x1  }
0x2d: {  	s27 =	simm.s32 $execute0_lowered;
	[smem:$0x3FD2] =	sst s26  }
0x2e: {  	s6 =	sshll.u32 s27, $0x1;
	_ =	strace $0x80000049;
	[dreg:$0x1] =	wrdreg $0xFFFFFFFF  }
0x2f: {  	s28 =	simm.s32 $_size_execute0_lowered;
	s5 =	sadd.s32 s5, s6;
	[dreg:$0x0] =	wrdreg $0x0  }
0x30: {  	s6 =	sshll.u32 s28, $0x1;
	[dreg:$0x2] =	wrdreg s5  }
0x31: {  	[dreg:$0x3] =	wrdreg s6  }
0x32: {  	[dreg:$0x4] =	wrdreg $0xC0  }
0x33: {  	_ =	task [dreg:s24], $0x5FFFF  }
0x34: {  	[dreg:$0x1] =	wrdreg $0xFFFFFFFF  }
0x35: {  	[dreg:$0x0] =	wrdreg $0x60  }
0x36: {  	[dreg:$0x2] =	wrdreg s20  }
0x37: {  	[dreg:$0x3] =	wrdreg s4  }
0x38: {  	[dreg:$0x4] =	wrdreg $0xA  }
0x39: {  	_ =	task.clear_ibuf [dreg:s24], $0x5FFFF;
	_ =	strace $0x90000049  }
0x3a: {  	s29 =	simm.s32 $0xA;
	_ =	strace $0x8000004B  }
0x3b: {  	_ =	swait.ge [sflag:s29], $0x1  }
0x3c: {  	[sflag:s29] =	ssyncadd.s32 $0xFFFFFFFF  }
0x3d: {  	_ =	strace $0x9000004B  }
0x3e: {  	_ =	sfence  }
0x3f: {  	s30 =	sld [smem:$0x0];
	_ =	sdelay $0x2  }
0x40: {  	s31 =	sshll.u32 s1, $0xD;
	s1 =	sshrl.u32 s1, $0x2  }
0x41: {  	s4 =	sand.u32 $0x4000, s31;
	s1 =	sadd.s32 s1, s30  }
0x42: {  	s0 =	sor.u32 s4, s0;
	s1 =	sshll.u32 s1, $0x11  }
0x43: {  	s0 =	sor.u32 s1, s0  }
0x44: {  	s0 =	sadd.s32 $0x8F2B, s0  }
0x45: {  	[sflag:s0] =	ssyncadd.remote.s32 $0x1  }
0x46: {  	_ =	sfence.sel $0xFFFF  }
0x47: {  	[dreg:$0x0] =	wrdreg $0xFFFFFFFF;
	(pc) =	sbr.abs _section_cstart, $3  }
0x48: {  	[dreg:$0x1] =	wrdreg $0xFFFFFFFF  }
0x49: {  	_ =	task.clear_ibuf [dreg:s24], $0x2FFFF;
	_ =	strace $0x9FFFFFFF  }
0x4a: {  	(tm) =	ssettm $0x7FFFFFFF  }
0x4b: {  	_ =	shalt  }
tec
execute0_lowered:
.L_overlay_start_1:
0x0: {  	(tag) =	ssettag $0x1  }
0x1: {  	s0 =	srdreg.scid  }
0x2: {  	s1 =	sshll.u32 s0, $0x4  }
0x3: {  	s2 =	rddreg [dreg:$0x0];
	s0 =	stileid.u32;
	s1 =	sand.u32 $0x10, s1  }
0x4: {  	s4 =	rddreg [dreg:$0x1];
	s1 =	sor.u32 s0, s1  }
0x5: {  	s7 =	simm.s32 $0x1;
	s8 =	simm.s32 $0x2;
	s3 =	sshll.u32 s1, $0x1  }
0x6: {  	s9 =	simm.s32 $0x0;
	s12 =	simm.s32 $0x0;
	s6 =	ssub.s32 $0x1000, s3  }
.Ltmp0:
0x7: {  	s11 =	simm.s32 $0x0;
	s5 =	sand.u32 $0x3E, s6;
	(pc) =	sbr.rel .LBB1_1-.Ltmp0, $4  }
0x8: {  	s1 =	rddreg [dreg:$0x2];
	_ =	strace $0x8000004A;
	p0 =	sne.s32 s5, $0x0  }
0x9: {  	s6 =	sshrl.u32 s6, $0x6;
	s5 =	simm.s32 $0x1;
	s7 =	simm.s32 @!p0 $0x0  }
0xa: {  	s10 =	smov.u32 s3;
	[sflag:s5] =	ssyncpa.u1 $0x0;
	s6 =	sadd.s32 s7, s6  }
0xb: {  	[sflag:s8] =	ssyncpa.u1 $0x0;
	s8 =	simm.s32 $0x0;
	s7 =	sadd.s32 $0x1, s6  }
.LBB1_9:
0xc: {  	s14 =	sadd.s32 $0x40, s10  }
0xd: {  	p1 =	sgt.s32 s14, $0xFFF  }
0xe: {  	s14 =	smov.u32 @p1 s3;
	p1 =	sne.s32 s11, s7  }
.Ltmp1:
0xf: {  	p0 =	slt.u32 s11, $0x2;
	(pc) =	sbr.rel @!p1 .LBB1_10-.Ltmp1, $4  }
0x10: {  	s13 =	simm.s32 @!p0 $0x2  }
0x11: {  	s15 =	sadd.s32 $0x1, s11;
	_ =	swait.ge @!p0 [sflag:s13], $0x4000  }
0x12: {  	s12 =	smov.u32 s10;
	s9 =	sadd.s32 $0x4000, s9;
	[sflag:s13] =	ssyncset.done @!p0 $0x0  }
0x13: {  	s11 =	smov.u32 s15;
	s10 =	smov.u32 s14;
	[sflag:s13] =	ssyncadd.s32 @!p0 $0xFFFFC000  }
.LBB1_1:
0x14: {  	p0 =	sge.u32 s11, s6  }
0x15: {  	s13 =	sxor.u32 @!p0 $0xFFFFFFFF, s11  }
0x16: {  	s31 =	sadd.s32 $0xFFFFFFFF, s11;
	s14 =	sshll.u32 @!p0 s10, $0xA;
	s13 =	sshll.u32 @!p0 s13, $0xE  }
0x17: {  	s15 =	simm.s32 @!p0 $0x0;
	s14 =	sadd.s32 @!p0 s2, s14;
	s13 =	sand.u32 @!p0 $0x4000, s13  }
0x18: {  	[tilespmem:s13], [sflag:$0x1] =	stream.linear.gather @!p0 [hbm4b:s14+s15], $0x4000, $0x38;
	[tilespmem:$0x10000] =	vst v63  }
0x19: {  	p0 =	sge.u32 s31, s6  }
.Ltmp2:
0x1a: {  	_ = 	snop;
	(pc) =	sbr.rel @p0 .LBB1_9-.Ltmp2, $1  }
0x1b: {  	_ =	sdelay $0x3  }
0x1c: {  	s13 =	sshll.u32 s9, $0x2  }
0x1d: {  	_ =	swait.ge [sflag:s5], $0x4000;
	s14 =	sshll.u32 s11, $0xE;
	s16 =	simm.s32 $0x0  }
0x1e: {  	p1 =	por $0x1, $0x1;
	s13 =	sand.u32 $0x10000, s13;
	[sflag:s5] =	ssyncset.done $0x0  }
0x1f: {  	s14 =	sand.u32 $0x4000, s14;
	s15 =	sshrl.u32 s13, $0x2;
	[sflag:s5] =	ssyncadd.s32 $0xFFFFC000  }
0x20: {  	s13 =	sor.u32 $0x8000, s14;
	s14 =	sadd.s32 $0x8040, s15;
	s15 =	sadd.s32 $0x40, s15  }
.LBB1_3:
0x21: {  	s16 =	sshll.u32 s16, $0x2  }
0x22: {  	p0 =	por p1, p1;
	s17 =	sshra.s32 s16, $0x2  }
0x23: {  	s18 =	simm.s32 $0x0;
	s16 =	sadd.s32 s17, s14;
	s17 =	sadd.s32 s17, s15  }
.LBB1_4:
0x24: {  	v0 =	vmov s17;
	_ =	sdelay $0x3  }
0x25: {  	s20 =	simm.s32 $0x0  }
0x26: {  	v6 =	vld.idx.msk [tilespmem:v0+s20+$0x30 ss:$0x1], $0xffff  }
0x27: {  	v7 =	vld.idx.msk [tilespmem:v0+s20+$0xFFFFFFC0 ss:$0x1], $0xffff  }
0x28: {  	v5 =	vld.idx.msk [tilespmem:v0+s20+$0xFFFFFFD0 ss:$0x1], $0xffff  }
0x29: {  	v4 =	vld.idx.msk [tilespmem:v0+s20+$0xFFFFFFE0 ss:$0x1], $0xffff  }
0x2a: {  	v3 =	vld.idx.msk [tilespmem:v0+s20+$0xFFFFFFF0 ss:$0x1], $0xffff  }
0x2b: {  	v1 =	vld.idx.msk [tilespmem:v0+s20+$0x0 ss:$0x1], $0xffff  }
0x2c: {  	v2 =	vld.idx.msk [tilespmem:v0+s20+$0x10 ss:$0x1], $0xffff;
	[tilespmem:s16+$0x30] =	vst v6  }
0x2d: {  	s19 =	simm.s32 $0x80;
	s21 =	simm.s32 $0x400;
	[tilespmem:s16+$0xFFFFFFC0] =	vst v7;
	v6 =	vld.idx.msk [tilespmem:v0+s20+$0x20 ss:$0x1], $0xffff;
	s20 =	smov.u32 s16  }
.LBB1_5:
0x2e: {  	p1 =	sne.s32 s21, $0xE00;
	v7 =	vld.idx.msk [tilespmem:v0+s19+$0x30 ss:$0x1], $0xffff;
	[tilespmem:s20+$0xFFFFFFD0] =	vst v5  }
0x2f: {  	v8 =	vld.idx.msk [tilespmem:v0+s19+$0xFFFFFFC0 ss:$0x1], $0xffff;
	[tilespmem:s20+$0xFFFFFFE0] =	vst v4  }
0x30: {  	v5 =	vld.idx.msk [tilespmem:v0+s19+$0xFFFFFFD0 ss:$0x1], $0xffff;
	[tilespmem:s20+$0xFFFFFFF0] =	vst v3  }
.Ltmp3:
0x31: {  	v4 =	vld.idx.msk [tilespmem:v0+s19+$0xFFFFFFE0 ss:$0x1], $0xffff;
	[tilespmem:s20+$0x0] =	vst v1;
	(pc) =	sbr.rel @p1 .LBB1_5-.Ltmp3, $4  }
0x32: {  	v3 =	vld.idx.msk [tilespmem:v0+s19+$0xFFFFFFF0 ss:$0x1], $0xffff;
	[tilespmem:s20+$0x10] =	vst v2  }
0x33: {  	v1 =	vld.idx.msk [tilespmem:v0+s19+$0x0 ss:$0x1], $0xffff;
	[tilespmem:s20+$0x20] =	vst v6;
	s20 =	sadd.s32 $0x400, s20  }
0x34: {  	v2 =	vld.idx.msk [tilespmem:v0+s19+$0x10 ss:$0x1], $0xffff;
	[tilespmem:s20+$0x30] =	vst v7  }
0x35: {  	[tilespmem:s20+$0xFFFFFFC0] =	vst v8;
	v6 =	vld.idx.msk [tilespmem:v0+s19+$0x20 ss:$0x1], $0xffff;
	s19 =	sshra.s32 s21, $0x2;
	s21 =	sadd.s32 $0x200, s21  }
0x36: {  	_ =	sdelay $0x2  }
0x37: {  	[tilespmem:s20+$0xFFFFFFD0] =	vst v5  }
0x38: {  	v56 =	vld.idx.msk [tilespmem:v0+s19+$0x30 ss:$0x1], $0xffff;
	[tilespmem:s20+$0xFFFFFFE0] =	vst v4  }
0x39: {  	v57 =	vld.idx.msk [tilespmem:v0+s19+$0xFFFFFFC0 ss:$0x1], $0xffff;
	[tilespmem:s20+$0xFFFFFFF0] =	vst v3  }
0x3a: {  	v58 =	vld.idx.msk [tilespmem:v0+s19+$0xFFFFFFD0 ss:$0x1], $0xffff;
	[tilespmem:s20+$0x0] =	vst v1  }
0x3b: {  	v59 =	vld.idx.msk [tilespmem:v0+s19+$0xFFFFFFE0 ss:$0x1], $0xffff;
	[tilespmem:s20+$0x10] =	vst v2  }
0x3c: {  	v60 =	vld.idx.msk [tilespmem:v0+s19+$0xFFFFFFF0 ss:$0x1], $0xffff;
	s31 =	sadd.s32 $0x400, s20;
	[tilespmem:s20+$0x20] =	vst v6  }
0x3d: {  	v61 =	vld.idx.msk [tilespmem:v0+s19+$0x0 ss:$0x1], $0xffff;
	[tilespmem:s31+$0x30] =	vst v56  }
0x3e: {  	v62 =	vld.idx.msk [tilespmem:v0+s19+$0x10 ss:$0x1], $0xffff;
	s18 =	sadd.s32 $0x1, s18;
	[tilespmem:s31+$0xFFFFFFC0] =	vst v57  }
0x3f: {  	v63 =	vld.idx.msk [tilespmem:v0+s19+$0x20 ss:$0x1], $0xffff;
	p1 =	sne.s32 s18, $0x8;
	[tilespmem:s31+$0xFFFFFFD0] =	vst v58  }
.Ltmp4:
0x40: {  	[tilespmem:s31+$0xFFFFFFE0] =	vst v59;
	(pc) =	sbr.rel @p1 .LBB1_4-.Ltmp4, $4  }
0x41: {  	[tilespmem:s31+$0xFFFFFFF0] =	vst v60  }
0x42: {  	[tilespmem:s31+$0x0] =	vst v61  }
0x43: {  	[tilespmem:s31+$0x10] =	vst v62  }
0x44: {  	s16 =	sadd.s32 $0x80, s16;
	s17 =	sadd.s32 $0x400, s17;
	[tilespmem:s31+$0x20] =	vst v63  }
.Ltmp5:
0x45: {  	(pc) =	sbr.rel @p0 .LBB1_3-.Ltmp5, $2  }
0x46: {  	_ =	sdelay $0x2  }
0x47: {  	s16 =	simm.s32 $0x2000;
	p1 =	por $0x0, $0x0  }
.Ltmp6:
0x48: {  	(pc) =	sbr.rel .LBB1_9-.Ltmp6, $4  }
0x49: {  	_ = 	snop  }
0x4a: {  	s12 =	sshll.u32 s12, $0xA  }
0x4b: {  	s12 =	sadd.s32 s4, s12  }
0x4c: {  	[hbm4b:s12+s8] =	stream.linear.scatter [tilespmem:s13], [sflag:$0x2], $0x4000, $0x38;
	[tilespmem:$0x10000] =	vst v63  }
.LBB1_10:
0x4d: {  	_ =	sfence.sel $0x180000  }
0x4e: {  	s2 =	simm.s32 $0x1;
	[bflag:$0x0] =	sbarrier.arrive $0xFFFF  }
0x4f: {  	s31 =	simm.s32 $0x2;
	[sflag:s2] =	ssyncpa.u1 $0x1  }
0x50: {  	[sflag:s31] =	ssyncpa.u1 $0x1  }
0x51: {  	p0 =	sne.s32 s0, $0x0;
	_ =	strace $0x9000004A  }
0x52: {  	s0 =	sadd.s32 @!p0 $0x100000, s1;
	[bflag:$0x2] =	sbarrier.arrive $0xFFFF  }
0x53: {  	[sflag:s0] =	ssyncadd.tile.s32 @!p0 $0x1;
	_ =	shalt  }
.Lfunc_end1:
_tile_overlayer_lowered:
.L_overlay_start_2:
0x54: {  	(tag) =	ssettag $0x2  }
0x55: {  	s0 =	rddreg [dreg:$0x0];
	s2 =	stileid.u32  }
0x56: {  	s1 =	rddreg [dreg:$0x1];
	p0 =	sne.s32 s2, $0x0  }
0x57: {  	s3 =	rddreg [dreg:$0x2];
	[bflag:$0x3] =	sbarrier.arrive $0xFFFF;
	s2 =	simm.s32 @!p0 $0x1C01  }
0x58: {  	[timem:s3], [sflag:s2] =	dma.local @!p0 [hbm:s0], s1  }
0x59: {  	s0 =	simm.s32 @!p0 $0x1  }
0x5a: {  	_ =	swait.ge @!p0 [sflag:s0], s1  }
0x5b: {  	s1 =	ssub.s32 @!p0 $0x0, s1;
	[sflag:s0] =	ssyncset.done @!p0 $0x0  }
0x5c: {  	[sflag:s0] =	ssyncadd.s32 @!p0 s1  }
0x5d: {  	[bflag:$0x3] =	sbarrier.arrive $0xFFFF  }
0x5e: {  	_ =	shalt  }

// kernel: sparse-core-data-format-call.cloned.1.call-start
scs
called_computation_lowered:
.L_overlay_start_0:
0x0: {  	s2 =	sld [smem:$0x3FD9]  }
0x1: {  	s3 =	sld [smem:$0x3FFE];
	_ =	sdelay $0x1  }
0x2: {  	s1 =	srdreg.scid  }
0x3: {  	s0 =	sand.u32 $0x1, s1  }
0x4: {  	s18 =	sshll.u32 s0, $0xA;
	s2 =	sadd.s32 s3, s2  }
0x5: {  	s2 =	sadd.s32 s2, s18  }
0x6: {  	[smem:$0x3FC6] =	sst s2  }
0x7: {  	_ = 	snop  }
0x8: {  	s2 =	sld [smem:$0x3FC8];
	(tm) =	ssettm $0x1  }
0x9: {  	s19 =	sld [smem:$0x3FFB];
	_ =	sdelay $0x3  }
0xa: {  	_ =	strace s19  }
0xb: {  	s3 =	sld [smem:$0x3FFC];
	_ =	sdelay $0x3  }
0xc: {  	_ =	strace s3  }
0xd: {  	s3 =	sld [smem:$0x3FFD];
	_ =	sdelay $0x3  }
0xe: {  	_ =	strace s3  }
0xf: {  	_ =	strace $0x8FFFFFFF  }
0x10: {  	s20 =	sld [smem:$0x3FDB];
	_ =	sdelay $0x1  }
0x11: {  	s4 =	simm.s32 $_scs_section_size  }
0x12: {  	s5 =	simm.s32 $_size__tile_overlayer_lowered;
	s6 =	simm.s32 $_tile_overlayer_lowered  }
0x13: {  	s23 =	simm.s32 $0x1BFF;
	s22 =	sshll.u32 s6, $0x1;
	s3 =	sadd.s32 s4, s20  }
0x14: {  	s7 =	simm.s32 $0x0;
	s21 =	sshll.u32 s5, $0x1;
	s5 =	sadd.s32 s22, s3  }
0x15: {  	[timem:s7], [sflag:s23] =	dma.local [hbm:s5], s21  }
0x16: {  	_ =	swait.ge [sflag:s23], s21  }
0x17: {  	s4 =	ssub.s32 $0x0, s21;
	[sflag:s23] =	ssyncset.done $0x0  }
0x18: {  	[sflag:s23] =	ssyncadd.s32 s4;
	_ =	sdelay $0x1  }
0x19: {  	s24 =	simm.s32 $0x1B8B  }
0x1a: {  	_ =	swait.ge [sflag:s24], $0x1  }
0x1b: {  	[sflag:s24] =	ssyncset.done $0x0  }
0x1c: {  	s26 =	simm.s32 $0x1B8E;
	s25 =	sld [smem:$0x3FFE];
	[sflag:s24] =	ssyncadd.s32 $0xFFFFFFFF  }
0x1d: {  	s27 =	simm.s32 $execute0_lowered;
	[smem:$0x3FD2] =	sst s26  }
0x1e: {  	s5 =	sshll.u32 s27, $0x1;
	_ =	strace $0x80000046;
	[dreg:$0x1] =	wrdreg $0xFFFFFFFF  }
0x1f: {  	s28 =	simm.s32 $_size_execute0_lowered;
	s3 =	sadd.s32 s3, s5;
	[dreg:$0x0] =	wrdreg $0x0  }
0x20: {  	s5 =	sshll.u32 s28, $0x1;
	[dreg:$0x2] =	wrdreg s3  }
0x21: {  	[dreg:$0x3] =	wrdreg s5  }
0x22: {  	[dreg:$0x4] =	wrdreg $0xC0  }
0x23: {  	_ =	task [dreg:s7], $0x5FFFF  }
0x24: {  	[dreg:$0x1] =	wrdreg $0xFFFFFFFF  }
0x25: {  	[dreg:$0x0] =	wrdreg $0x60  }
0x26: {  	[dreg:$0x2] =	wrdreg s2  }
0x27: {  	[dreg:$0x3] =	wrdreg s25  }
0x28: {  	[dreg:$0x4] =	wrdreg $0x9  }
0x29: {  	_ =	task.clear_ibuf [dreg:s7], $0x5FFFF;
	_ =	strace $0x90000046  }
0x2a: {  	s29 =	simm.s32 $0x9;
	_ =	strace $0x80000048  }
0x2b: {  	_ =	swait.ge [sflag:s29], $0x1  }
0x2c: {  	[sflag:s29] =	ssyncadd.s32 $0xFFFFFFFF  }
0x2d: {  	_ =	strace $0x90000048  }
0x2e: {  	_ =	sfence  }
0x2f: {  	s30 =	sld [smem:$0x0];
	_ =	sdelay $0x2  }
0x30: {  	s31 =	sshll.u32 s1, $0xD;
	s1 =	sshrl.u32 s1, $0x2  }
0x31: {  	s3 =	sand.u32 $0x4000, s31;
	s1 =	sadd.s32 s1, s30  }
0x32: {  	s0 =	sor.u32 s3, s0;
	s1 =	sshll.u32 s1, $0x11  }
0x33: {  	s0 =	sor.u32 s1, s0  }
0x34: {  	s0 =	sadd.s32 $0x8F2B, s0  }
0x35: {  	[sflag:s0] =	ssyncadd.remote.s32 $0x1  }
0x36: {  	_ =	sfence.sel $0xFFFF  }
0x37: {  	[dreg:$0x0] =	wrdreg $0xFFFFFFFF;
	(pc) =	sbr.abs _section_cstart, $3  }
0x38: {  	[dreg:$0x1] =	wrdreg $0xFFFFFFFF  }
0x39: {  	_ =	task.clear_ibuf [dreg:s7], $0x2FFFF;
	_ =	strace $0x9FFFFFFF  }
0x3a: {  	(tm) =	ssettm $0x7FFFFFFF  }
0x3b: {  	_ =	shalt  }
tec
execute0_lowered:
.L_overlay_start_1:
0x0: {  	(tag) =	ssettag $0x1  }
0x1: {  	s0 =	srdreg.scid  }
0x2: {  	s1 =	sshll.u32 s0, $0x4  }
0x3: {  	s2 =	rddreg [dreg:$0x0];
	s0 =	stileid.u32;
	s1 =	sand.u32 $0x10, s1  }
0x4: {  	s4 =	rddreg [dreg:$0x1];
	s7 =	simm.s32 $0x1;
	s1 =	sor.u32 s0, s1  }
0x5: {  	s8 =	simm.s32 $0x2;
	s9 =	simm.s32 $0x0;
	s3 =	sshll.u32 s1, $0x1  }
0x6: {  	s12 =	simm.s32 $0x0;
	s11 =	simm.s32 $0x0;
	s6 =	ssub.s32 $0x400, s3  }
.Ltmp0:
0x7: {  	s4 =	sadd.s32 $0xC00, s4;
	s5 =	sand.u32 $0x3E, s6;
	(pc) =	sbr.rel .LBB1_1-.Ltmp0, $4  }
0x8: {  	s1 =	rddreg [dreg:$0x2];
	_ =	strace $0x80000047;
	p0 =	sne.s32 s5, $0x0  }
0x9: {  	s6 =	sshrl.u32 s6, $0x6;
	s5 =	simm.s32 $0x1;
	s7 =	simm.s32 @!p0 $0x0  }
0xa: {  	s10 =	smov.u32 s3;
	[sflag:s5] =	ssyncpa.u1 $0x0;
	s6 =	sadd.s32 s7, s6  }
0xb: {  	[sflag:s8] =	ssyncpa.u1 $0x0;
	s8 =	simm.s32 $0x0;
	s7 =	sadd.s32 $0x1, s6  }
.LBB1_9:
0xc: {  	s14 =	sadd.s32 $0x40, s10  }
0xd: {  	p1 =	sgt.s32 s14, $0x3FF  }
0xe: {  	s14 =	smov.u32 @p1 s3;
	p1 =	sne.s32 s11, s7  }
.Ltmp1:
0xf: {  	p0 =	slt.u32 s11, $0x2;
	(pc) =	sbr.rel @!p1 .LBB1_10-.Ltmp1, $4  }
0x10: {  	s13 =	simm.s32 @!p0 $0x2  }
0x11: {  	s15 =	sadd.s32 $0x1, s11;
	_ =	swait.ge @!p0 [sflag:s13], $0x4000  }
0x12: {  	s12 =	smov.u32 s10;
	s9 =	sadd.s32 $0x4000, s9;
	[sflag:s13] =	ssyncset.done @!p0 $0x0  }
0x13: {  	s11 =	smov.u32 s15;
	s10 =	smov.u32 s14;
	[sflag:s13] =	ssyncadd.s32 @!p0 $0xFFFFC000  }
.LBB1_1:
0x14: {  	p0 =	sge.u32 s11, s6  }
0x15: {  	s13 =	sxor.u32 @!p0 $0xFFFFFFFF, s11  }
0x16: {  	s31 =	sadd.s32 $0xFFFFFFFF, s11;
	s14 =	sshll.u32 @!p0 s10, $0xA;
	s13 =	sshll.u32 @!p0 s13, $0xE  }
0x17: {  	s15 =	simm.s32 @!p0 $0x0;
	s14 =	sadd.s32 @!p0 s2, s14;
	s13 =	sand.u32 @!p0 $0x4000, s13  }
0x18: {  	[tilespmem:s13], [sflag:$0x1] =	stream.linear.gather @!p0 [hbm4b:s14+s15], $0x4000, $0x38;
	[tilespmem:$0x10000] =	vst v63  }
0x19: {  	p0 =	sge.u32 s31, s6  }
.Ltmp2:
0x1a: {  	_ = 	snop;
	(pc) =	sbr.rel @p0 .LBB1_9-.Ltmp2, $1  }
0x1b: {  	_ =	sdelay $0x3  }
0x1c: {  	s13 =	sshll.u32 s9, $0x2  }
0x1d: {  	_ =	swait.ge [sflag:s5], $0x4000;
	s14 =	sshll.u32 s11, $0xE;
	s16 =	simm.s32 $0x0  }
0x1e: {  	p1 =	por $0x1, $0x1;
	s13 =	sand.u32 $0x10000, s13;
	[sflag:s5] =	ssyncset.done $0x0  }
0x1f: {  	s14 =	sand.u32 $0x4000, s14;
	s15 =	sshrl.u32 s13, $0x2;
	[sflag:s5] =	ssyncadd.s32 $0xFFFFC000  }
0x20: {  	s13 =	sor.u32 $0x8000, s14;
	s14 =	sadd.s32 $0x8040, s15;
	s15 =	sadd.s32 $0x40, s15  }
.LBB1_3:
0x21: {  	s16 =	sshll.u32 s16, $0x2  }
0x22: {  	p0 =	por p1, p1;
	s17 =	sshra.s32 s16, $0x2  }
0x23: {  	s18 =	simm.s32 $0x0;
	s16 =	sadd.s32 s17, s14;
	s17 =	sadd.s32 s17, s15  }
.LBB1_4:
0x24: {  	v0 =	vmov s17;
	_ =	sdelay $0x3  }
0x25: {  	s20 =	simm.s32 $0x0  }
0x26: {  	v6 =	vld.idx.msk [tilespmem:v0+s20+$0x30 ss:$0x1], $0xffff  }
0x27: {  	v7 =	vld.idx.msk [tilespmem:v0+s20+$0xFFFFFFC0 ss:$0x1], $0xffff  }
0x28: {  	v5 =	vld.idx.msk [tilespmem:v0+s20+$0xFFFFFFD0 ss:$0x1], $0xffff  }
0x29: {  	v4 =	vld.idx.msk [tilespmem:v0+s20+$0xFFFFFFE0 ss:$0x1], $0xffff  }
0x2a: {  	v3 =	vld.idx.msk [tilespmem:v0+s20+$0xFFFFFFF0 ss:$0x1], $0xffff  }
0x2b: {  	v1 =	vld.idx.msk [tilespmem:v0+s20+$0x0 ss:$0x1], $0xffff  }
0x2c: {  	v2 =	vld.idx.msk [tilespmem:v0+s20+$0x10 ss:$0x1], $0xffff;
	[tilespmem:s16+$0x30] =	vst v6  }
0x2d: {  	s19 =	simm.s32 $0x80;
	s21 =	simm.s32 $0x400;
	[tilespmem:s16+$0xFFFFFFC0] =	vst v7;
	v6 =	vld.idx.msk [tilespmem:v0+s20+$0x20 ss:$0x1], $0xffff;
	s20 =	smov.u32 s16  }
.LBB1_5:
0x2e: {  	p1 =	sne.s32 s21, $0xE00;
	v7 =	vld.idx.msk [tilespmem:v0+s19+$0x30 ss:$0x1], $0xffff;
	[tilespmem:s20+$0xFFFFFFD0] =	vst v5  }
0x2f: {  	v8 =	vld.idx.msk [tilespmem:v0+s19+$0xFFFFFFC0 ss:$0x1], $0xffff;
	[tilespmem:s20+$0xFFFFFFE0] =	vst v4  }
0x30: {  	v5 =	vld.idx.msk [tilespmem:v0+s19+$0xFFFFFFD0 ss:$0x1], $0xffff;
	[tilespmem:s20+$0xFFFFFFF0] =	vst v3  }
.Ltmp3:
0x31: {  	v4 =	vld.idx.msk [tilespmem:v0+s19+$0xFFFFFFE0 ss:$0x1], $0xffff;
	[tilespmem:s20+$0x0] =	vst v1;
	(pc) =	sbr.rel @p1 .LBB1_5-.Ltmp3, $4  }
0x32: {  	v3 =	vld.idx.msk [tilespmem:v0+s19+$0xFFFFFFF0 ss:$0x1], $0xffff;
	[tilespmem:s20+$0x10] =	vst v2  }
0x33: {  	v1 =	vld.idx.msk [tilespmem:v0+s19+$0x0 ss:$0x1], $0xffff;
	[tilespmem:s20+$0x20] =	vst v6;
	s20 =	sadd.s32 $0x400, s20  }
0x34: {  	v2 =	vld.idx.msk [tilespmem:v0+s19+$0x10 ss:$0x1], $0xffff;
	[tilespmem:s20+$0x30] =	vst v7  }
0x35: {  	[tilespmem:s20+$0xFFFFFFC0] =	vst v8;
	v6 =	vld.idx.msk [tilespmem:v0+s19+$0x20 ss:$0x1], $0xffff;
	s19 =	sshra.s32 s21, $0x2;
	s21 =	sadd.s32 $0x200, s21  }
0x36: {  	_ =	sdelay $0x2  }
0x37: {  	[tilespmem:s20+$0xFFFFFFD0] =	vst v5  }
0x38: {  	v56 =	vld.idx.msk [tilespmem:v0+s19+$0x30 ss:$0x1], $0xffff;
	[tilespmem:s20+$0xFFFFFFE0] =	vst v4  }
0x39: {  	v57 =	vld.idx.msk [tilespmem:v0+s19+$0xFFFFFFC0 ss:$0x1], $0xffff;
	[tilespmem:s20+$0xFFFFFFF0] =	vst v3  }
0x3a: {  	v58 =	vld.idx.msk [tilespmem:v0+s19+$0xFFFFFFD0 ss:$0x1], $0xffff;
	[tilespmem:s20+$0x0] =	vst v1  }
0x3b: {  	v59 =	vld.idx.msk [tilespmem:v0+s19+$0xFFFFFFE0 ss:$0x1], $0xffff;
	[tilespmem:s20+$0x10] =	vst v2  }
0x3c: {  	v60 =	vld.idx.msk [tilespmem:v0+s19+$0xFFFFFFF0 ss:$0x1], $0xffff;
	s31 =	sadd.s32 $0x400, s20;
	[tilespmem:s20+$0x20] =	vst v6  }
0x3d: {  	v61 =	vld.idx.msk [tilespmem:v0+s19+$0x0 ss:$0x1], $0xffff;
	[tilespmem:s31+$0x30] =	vst v56  }
0x3e: {  	v62 =	vld.idx.msk [tilespmem:v0+s19+$0x10 ss:$0x1], $0xffff;
	s18 =	sadd.s32 $0x1, s18;
	[tilespmem:s31+$0xFFFFFFC0] =	vst v57  }
0x3f: {  	v63 =	vld.idx.msk [tilespmem:v0+s19+$0x20 ss:$0x1], $0xffff;
	p1 =	sne.s32 s18, $0x8;
	[tilespmem:s31+$0xFFFFFFD0] =	vst v58  }
.Ltmp4:
0x40: {  	[tilespmem:s31+$0xFFFFFFE0] =	vst v59;
	(pc) =	sbr.rel @p1 .LBB1_4-.Ltmp4, $4  }
0x41: {  	[tilespmem:s31+$0xFFFFFFF0] =	vst v60  }
0x42: {  	[tilespmem:s31+$0x0] =	vst v61  }
0x43: {  	[tilespmem:s31+$0x10] =	vst v62  }
0x44: {  	s16 =	sadd.s32 $0x80, s16;
	s17 =	sadd.s32 $0x400, s17;
	[tilespmem:s31+$0x20] =	vst v63  }
.Ltmp5:
0x45: {  	(pc) =	sbr.rel @p0 .LBB1_3-.Ltmp5, $2  }
0x46: {  	_ =	sdelay $0x2  }
0x47: {  	s16 =	simm.s32 $0x2000;
	p1 =	por $0x0, $0x0  }
.Ltmp6:
0x48: {  	(pc) =	sbr.rel .LBB1_9-.Ltmp6, $4  }
0x49: {  	_ = 	snop  }
0x4a: {  	s12 =	sshll.u32 s12, $0xA  }
0x4b: {  	s12 =	sadd.s32 s4, s12  }
0x4c: {  	[hbm4b:s12+s8] =	stream.linear.scatter [tilespmem:s13], [sflag:$0x2], $0x4000, $0x38;
	[tilespmem:$0x10000] =	vst v63  }
.LBB1_10:
0x4d: {  	_ =	sfence.sel $0x180000  }
0x4e: {  	s2 =	simm.s32 $0x1;
	[bflag:$0x0] =	sbarrier.arrive $0xFFFF  }
0x4f: {  	s31 =	simm.s32 $0x2;
	[sflag:s2] =	ssyncpa.u1 $0x1  }
0x50: {  	[sflag:s31] =	ssyncpa.u1 $0x1  }
0x51: {  	p0 =	sne.s32 s0, $0x0;
	_ =	strace $0x90000047  }
0x52: {  	s0 =	sadd.s32 @!p0 $0x100000, s1;
	[bflag:$0x2] =	sbarrier.arrive $0xFFFF  }
0x53: {  	[sflag:s0] =	ssyncadd.tile.s32 @!p0 $0x1;
	_ =	shalt  }
.Lfunc_end1:
_tile_overlayer_lowered:
.L_overlay_start_2:
0x54: {  	(tag) =	ssettag $0x2  }
0x55: {  	s0 =	rddreg [dreg:$0x0];
	s2 =	stileid.u32  }
0x56: {  	s1 =	rddreg [dreg:$0x1];
	p0 =	sne.s32 s2, $0x0  }
0x57: {  	s3 =	rddreg [dreg:$0x2];
	[bflag:$0x3] =	sbarrier.arrive $0xFFFF;
	s2 =	simm.s32 @!p0 $0x1C01  }
0x58: {  	[timem:s3], [sflag:s2] =	dma.local @!p0 [hbm:s0], s1  }
0x59: {  	s0 =	simm.s32 @!p0 $0x1  }
0x5a: {  	_ =	swait.ge @!p0 [sflag:s0], s1  }
0x5b: {  	s1 =	ssub.s32 @!p0 $0x0, s1;
	[sflag:s0] =	ssyncset.done @!p0 $0x0  }
0x5c: {  	[sflag:s0] =	ssyncadd.s32 @!p0 s1  }
0x5d: {  	[bflag:$0x3] =	sbarrier.arrive $0xFFFF  }
0x5e: {  	_ =	shalt  }

</sc_bundles>
